<compile_context>
chip_gen: v7x
topology: tpu7x:2x2x1
jax: 0.10.2.dev20260603
libtpu: 0.0.44.dev20260713+nightly
codegen_flags: <defaults>
</compile_context>

<pallas_src>
import functools

import jax
import jax.numpy as jnp
from jax import lax
from jax.experimental import pallas as pl
from jax.experimental.pallas import tpu as pltpu
from jax.experimental.pallas import tpu_sc as plsc

_N = 10000
_E = 320000
_F = 128
_H = 128
_U = 64
_B = 64

_NC = 2
_NS = 16
_HH = _H // _NC
_EPT = _E // _NS
_CH = 80
_NCH = 250
_CL = _NCH // _NC
_NB = 6
_NIT = _NCH // _NB
_TAIL = _NCH % _NB
_NP = 10240
_RPT = _NP // _NS
_ZR = 128
_CW = 8

_BLK = 5000


def _mlp1_body(x_ref, w1_ref, b1_ref, w2_ref, b2_ref, y_ref):
    h = jnp.dot(x_ref[...], w1_ref[...], preferred_element_type=jnp.float32)
    h = jnp.maximum(h + b1_ref[...], 0.0)
    y = jnp.dot(h, w2_ref[...], preferred_element_type=jnp.float32) + b2_ref[...]
    y_ref[...] = jnp.stack([y[:, :_HH], y[:, _HH:]], axis=0)


def _mlp1(x, W1, b1, W2, b2):
    return pl.pallas_call(
        _mlp1_body,
        grid=(_N // _BLK,),
        in_specs=[
            pl.BlockSpec((_BLK, _F), lambda i: (i, 0)),
            pl.BlockSpec((_F, _H), lambda i: (0, 0)),
            pl.BlockSpec((1, _H), lambda i: (0, 0)),
            pl.BlockSpec((_H, _H), lambda i: (0, 0)),
            pl.BlockSpec((1, _H), lambda i: (0, 0)),
        ],
        out_specs=pl.BlockSpec((_NC, _BLK, _HH), lambda i: (0, i, 0)),
        out_shape=jax.ShapeDtypeStruct((_NC, _N, _HH), jnp.float32),
    )(x, W1, b1.reshape(1, _H), W2, b2.reshape(1, _H))


_sc_mesh = plsc.VectorSubcoreMesh(core_axis_name="c", subcore_axis_name="s")


@functools.partial(
    pl.kernel,
    out_type=(
        jax.ShapeDtypeStruct((_NC, _NP, _HH), jnp.float32),
        jax.ShapeDtypeStruct((_NC, _NP, _CW), jnp.float32),
    ),
    mesh=_sc_mesh,
    compiler_params=pltpu.CompilerParams(use_tc_tiling_on_sc=False),
    scratch_types=[
        pltpu.VMEM((_NCH, _CH), jnp.int32),
        pltpu.VMEM((_NCH, _CH), jnp.int32),
        pltpu.VMEM((_NB, _CH, _HH), jnp.float32),
        pltpu.VMEM((_CH, _CW), jnp.float32),
        pltpu.VMEM((_ZR, _HH), jnp.float32),
        pltpu.VMEM((_RPT, _CW), jnp.float32),
        pltpu.VMEM_SHARED((_NP, _HH), jnp.float32),
        pltpu.VMEM_SHARED((_NP, _CW), jnp.float32),
        [pltpu.SemaphoreType.DMA] * _NB,
        [pltpu.SemaphoreType.DMA] * _NB,
        pltpu.SemaphoreType.DMA,
    ],
)
def _sc_scatter(y_hbm, row_hbm, col_hbm, acc_out, cnt_out,
                row_v, col_v, bufs_v, ones_v,
                zf_v, zc_v, acc_sh, cnt_sh, gsems, ssems, csem):
    c = lax.axis_index("c")
    s = lax.axis_index("s")

    pltpu.sync_copy(row_hbm.at[s], row_v)
    pltpu.sync_copy(col_hbm.at[s], col_v)

    yoff = c * _N

    def addoff(i, _):
        for k in range(_CH // 16):
            sl = pl.ds(k * 16, 16)
            row_v[i, sl] = row_v[i, sl] + yoff
        return 0

    lax.fori_loop(0, _NB, addoff, 0)

    for b in range(_NB):
        pltpu.async_copy(y_hbm.at[row_v.at[b]], bufs_v.at[b], gsems[b])

    lax.fori_loop(_NB, _NCH, addoff, 0)

    def fill_wide(i, _):
        for k in range(_HH // 16):
            zf_v[i, pl.ds(k * 16, 16)] = jnp.zeros((16,), jnp.float32)
        return 0

    lax.fori_loop(0, _ZR, fill_wide, 0)

    def fill_cnt(i, _):
        zc_v[i, :] = jnp.zeros((_CW,), jnp.float32)
        return 0

    lax.fori_loop(0, _RPT, fill_cnt, 0)

    def fill_ones(i, _):
        ones_v[i, :] = jnp.ones((_CW,), jnp.float32)
        return 0

    lax.fori_loop(0, _CH, fill_ones, 0)

    base_r = s * _RPT
    for t in range(_RPT // _ZR):
        pltpu.sync_copy(zf_v, acc_sh.at[pl.ds(base_r + t * _ZR, _ZR)])
    pltpu.sync_copy(zc_v, cnt_sh.at[pl.ds(base_r, _RPT)])

    plsc.subcore_barrier()

    cnt_lo = c * _CL

    def outer(g, _):
        j0 = g * _NB
        for b in range(_NB):
            j = j0 + b
            pltpu.make_async_copy(y_hbm.at[row_v.at[j]], bufs_v.at[b],
                                  gsems[b]).wait()
            pltpu.async_copy(bufs_v.at[b], acc_sh.at[col_v.at[j]],
                             ssems[b], add=True)

            in_cnt = jnp.logical_and(j >= cnt_lo, j < cnt_lo + _CL)

            @pl.when(in_cnt)
            def _():
                pltpu.async_copy(ones_v, cnt_sh.at[col_v.at[j]], csem,
                                 add=True)

        for b in range(_NB):
            j = j0 + b
            nxt = j + _NB

            @pl.when(nxt < _NCH)
            def _():
                pltpu.make_async_copy(bufs_v.at[b], acc_sh.at[col_v.at[j]],
                                      ssems[b]).wait()
                pltpu.async_copy(y_hbm.at[row_v.at[nxt]], bufs_v.at[b],
                                 gsems[b])

        return 0

    lax.fori_loop(0, _NIT, outer, 0)

    for b in range(_TAIL):
        j = _NIT * _NB + b
        pltpu.make_async_copy(y_hbm.at[row_v.at[j]], bufs_v.at[b],
                              gsems[b]).wait()
        pltpu.async_copy(bufs_v.at[b], acc_sh.at[col_v.at[j]],
                         ssems[b], add=True)

        @pl.when(jnp.logical_and(j >= cnt_lo, j < cnt_lo + _CL))
        def _():
            pltpu.async_copy(ones_v, cnt_sh.at[col_v.at[j]], csem, add=True)

    for b in range(_NB):
        pltpu.make_async_copy(bufs_v.at[b], acc_sh.at[col_v.at[0]],
                              ssems[b]).wait()

    def drain_cnt(i, _):
        pltpu.make_async_copy(ones_v, cnt_sh.at[col_v.at[0]], csem).wait()
        return 0

    lax.fori_loop(0, _CL, drain_cnt, 0)

    plsc.subcore_barrier()

    for t in range(_RPT // _ZR):
        r0 = base_r + t * _ZR
        pltpu.sync_copy(acc_sh.at[pl.ds(r0, _ZR)], acc_out.at[c, pl.ds(r0, _ZR)])
    pltpu.sync_copy(cnt_sh.at[pl.ds(base_r, _RPT)],
                    cnt_out.at[c, pl.ds(base_r, _RPT)])


def _mlp2_body(x_ref, acc_ref, cnt_ref, batch_ref, u_ref,
               w3_ref, b3_ref, w4_ref, b4_ref, o_ref):
    a = acc_ref[...]
    acc = jnp.concatenate([a[0], a[1]], axis=1)
    cn = cnt_ref[...]
    cnt = cn[0, :, 0] + cn[1, :, 0]
    mean = acc / jnp.maximum(cnt, 1.0)[:, None]
    oh = (batch_ref[...] == lax.broadcasted_iota(jnp.int32, (1, _B), 1))
    oh = oh.astype(jnp.float32)
    uw = jnp.dot(u_ref[...], w3_ref[_F + _H:, :],
                 preferred_element_type=jnp.float32)
    t = (
        jnp.dot(x_ref[...], w3_ref[:_F, :], preferred_element_type=jnp.float32)
        + jnp.dot(mean, w3_ref[_F:_F + _H, :], preferred_element_type=jnp.float32)
        + jnp.dot(oh, uw, preferred_element_type=jnp.float32)
        + b3_ref[...]
    )
    h = jnp.maximum(t, 0.0)
    o_ref[...] = (
        jnp.dot(h, w4_ref[...], preferred_element_type=jnp.float32) + b4_ref[...]
    )


def _mlp2(x, acc, cnt, batch, u, W3, b3, W4, b4):
    return pl.pallas_call(
        _mlp2_body,
        grid=(_N // _BLK,),
        in_specs=[
            pl.BlockSpec((_BLK, _F), lambda i: (i, 0)),
            pl.BlockSpec((_NC, _BLK, _HH), lambda i: (0, i, 0)),
            pl.BlockSpec((_NC, _BLK, _CW), lambda i: (0, i, 0)),
            pl.BlockSpec((_BLK, 1), lambda i: (i, 0)),
            pl.BlockSpec((_B, _U), lambda i: (0, 0)),
            pl.BlockSpec((_F + _H + _U, _H), lambda i: (0, 0)),
            pl.BlockSpec((1, _H), lambda i: (0, 0)),
            pl.BlockSpec((_H, _F), lambda i: (0, 0)),
            pl.BlockSpec((1, _F), lambda i: (0, 0)),
        ],
        out_specs=pl.BlockSpec((_BLK, _F), lambda i: (i, 0)),
        out_shape=jax.ShapeDtypeStruct((_N, _F), jnp.float32),
    )(x, acc, cnt, batch.reshape(_N, 1), u, W3, b3.reshape(1, _H),
      W4, b4.reshape(1, _F))


def kernel(x, edge_index, u, batch, W1, b1, W2, b2, W3, b3, W4, b4):
    row = edge_index[0].reshape(_NS, _NCH, _CH)
    col = edge_index[1].reshape(_NS, _NCH, _CH)
    y2 = _mlp1(x, W1, b1, W2, b2)
    yflat = y2.reshape(_NC * _N, _HH)
    acc, cnt = _sc_scatter(yflat, row, col)
    return _mlp2(x, acc, cnt, batch, u, W3, b3, W4, b4)

# --- scband reference (transcript-rebuilt; emitter-appended) ---
"""Pipeline reference for scband-node-model-7138235646189 (READ-ONLY COPY).

The authoritative reference and input builder live on the scoring server;
editing this copy changes nothing except your own understanding.
"""

import jax, jax.numpy as jnp
import numpy as np

N = 10000
E = 320000
F = 128
H = 128
U = 64
B = 64


def setup_inputs(seed: int = 0) -> dict:
    key = jax.random.key(seed)
    ks = jax.random.split(key, 13)
    x = jax.random.normal(ks[0], (N, F), dtype=jnp.float32)
    edge_index = jax.random.randint(ks[1], (2, E), 0, N)
    u = jax.random.normal(ks[2], (B, U), dtype=jnp.float32)
    batch = jnp.sort(jax.random.randint(ks[3], (N,), 0, B))
    # node_mlp_1: Linear(F, H) -> ReLU -> Linear(H, H)
    W1 = jax.random.normal(ks[4], (F, H), dtype=jnp.float32) * 0.05
    b1 = jnp.zeros((H,), dtype=jnp.float32)
    W2 = jax.random.normal(ks[5], (H, H), dtype=jnp.float32) * 0.05
    b2 = jnp.zeros((H,), dtype=jnp.float32)
    # node_mlp_2: Linear(F + H + U, H) -> ReLU -> Linear(H, F)
    W3 = jax.random.normal(ks[6], (F + H + U, H), dtype=jnp.float32) * 0.05
    b3 = jnp.zeros((H,), dtype=jnp.float32)
    W4 = jax.random.normal(ks[7], (H, F), dtype=jnp.float32) * 0.05
    b4 = jnp.zeros((F,), dtype=jnp.float32)
    return {"x": x, "edge_index": edge_index, "u": u, "batch": batch,
            "W1": W1, "b1": b1, "W2": W2, "b2": b2,
            "W3": W3, "b3": b3, "W4": W4, "b4": b4}


def reference(x, edge_index, u, batch, W1, b1, W2, b2, W3, b3, W4, b4):
    row = edge_index[0]
    col = edge_index[1]
    # node_mlp_1 on gathered source-node features
    out = x[row]
    out = jnp.maximum(out @ W1 + b1, 0.0)
    out = out @ W2 + b2
    # scatter_mean over destination nodes
    sums = jax.ops.segment_sum(out, col, num_segments=N)
    cnt = jax.ops.segment_sum(jnp.ones((E,), dtype=out.dtype), col, num_segments=N)
    mean = sums / jnp.clip(cnt, 1.0)[:, None]
    # concat [x, aggregated, u[batch]] and node_mlp_2
    z = jnp.concatenate([x, mean, u[batch]], axis=1)
    z = jnp.maximum(z @ W3 + b3, 0.0)
    return z @ W4 + b4

if __name__ == "__main__":
    import jax
    _d = setup_inputs()
    print(jax.jit(kernel)(*tuple(_d.values())))

</pallas_src>

<mosaic_0001>
#map = affine_map<(d0, d1) -> (0, 0)>
#map1 = affine_map<(d0, d1) -> (0, 0, 0)>
module attributes {stable_mosaic.version = 14 : i64} {
  func.func @_sc_scatter(%arg0: i32, %arg1: i32, %arg2: memref<20000x64xf32, #tpu.memory_space<hbm>>, %arg3: memref<16x250x80xi32, #tpu.memory_space<hbm>>, %arg4: memref<16x250x80xi32, #tpu.memory_space<hbm>>, %arg5: memref<2x10240x64xf32, #tpu.memory_space<hbm>>, %arg6: memref<2x10240x8xf32, #tpu.memory_space<hbm>>, %arg7: memref<250x80xi32, #tpu.memory_space<vmem>>, %arg8: memref<250x80xi32, #tpu.memory_space<vmem>>, %arg9: memref<6x80x64xf32, #tpu.memory_space<vmem>>, %arg10: memref<80x8xf32, #tpu.memory_space<vmem>>, %arg11: memref<128x64xf32, #tpu.memory_space<vmem>>, %arg12: memref<640x8xf32, #tpu.memory_space<vmem>>, %arg13: memref<10240x64xf32, #tpu.memory_space<vmem_shared>>, %arg14: memref<10240x8xf32, #tpu.memory_space<vmem_shared>>, %arg15: memref<!tpu.dma_semaphore, #tpu.memory_space<semaphore_mem>>, %arg16: memref<!tpu.dma_semaphore, #tpu.memory_space<semaphore_mem>>, %arg17: memref<!tpu.dma_semaphore, #tpu.memory_space<semaphore_mem>>, %arg18: memref<!tpu.dma_semaphore, #tpu.memory_space<semaphore_mem>>, %arg19: memref<!tpu.dma_semaphore, #tpu.memory_space<semaphore_mem>>, %arg20: memref<!tpu.dma_semaphore, #tpu.memory_space<semaphore_mem>>, %arg21: memref<!tpu.dma_semaphore, #tpu.memory_space<semaphore_mem>>, %arg22: memref<!tpu.dma_semaphore, #tpu.memory_space<semaphore_mem>>, %arg23: memref<!tpu.dma_semaphore, #tpu.memory_space<semaphore_mem>>, %arg24: memref<!tpu.dma_semaphore, #tpu.memory_space<semaphore_mem>>, %arg25: memref<!tpu.dma_semaphore, #tpu.memory_space<semaphore_mem>>, %arg26: memref<!tpu.dma_semaphore, #tpu.memory_space<semaphore_mem>>, %arg27: memref<!tpu.dma_semaphore, #tpu.memory_space<semaphore_mem>>) attributes {dimension_semantics = [#tpu.dimension_semantics<core_parallel>, #tpu.dimension_semantics<subcore_parallel>], iteration_bounds = array<i64: 2, 16>, scalar_prefetch = 0 : i64, scratch_operands = 21 : i64, tpu.core_type = #tpu.core_type<sc_vector_subcore>, window_params = [{transform_indices = #map}, {transform_indices = #map1}, {transform_indices = #map1}, {transform_indices = #map1}, {transform_indices = #map1}]} {
    "tpu.region"() ({
      %run_scoped3A = tpu.sem_alloc : memref<!tpu.dma_semaphore, #tpu.memory_space<semaphore_mem>>
      %dma_start3A_346 = arith.constant 0 : i32
      %dma_start3A_347 = arith.constant 0 : i32
      %dma_start3A_348 = tpu.memref_slice %arg3[%arg1, %dma_start3A_346, %dma_start3A_347] : memref<16x250x80xi32, #tpu.memory_space<hbm>> -> memref<1x250x80xi32, #tpu.memory_space<hbm>>
      %dma_start3A_349 = tpu.memref_squeeze %dma_start3A_348 : memref<1x250x80xi32, #tpu.memory_space<hbm>> -> memref<250x80xi32, #tpu.memory_space<hbm>>
      %dma_start3A_350 = arith.constant 0 : i32
      %dma_start3A_351 = arith.constant 0 : i32
      %dma_start3A_352 = tpu.memref_slice %arg3[%arg1, %dma_start3A_350, %dma_start3A_351] : memref<16x250x80xi32, #tpu.memory_space<hbm>> -> memref<1x250x80xi32, #tpu.memory_space<hbm>>
      %dma_start3A_353 = tpu.memref_squeeze %dma_start3A_352 : memref<1x250x80xi32, #tpu.memory_space<hbm>> -> memref<250x80xi32, #tpu.memory_space<hbm>>
      tpu.enqueue_dma source(%dma_start3A_353 : memref<250x80xi32, #tpu.memory_space<hbm>>) target(%arg7 : memref<250x80xi32, #tpu.memory_space<vmem>>) target_semaphore(%run_scoped3A : memref<!tpu.dma_semaphore, #tpu.memory_space<semaphore_mem>>)
      %dma_wait3A_354 = arith.constant 0 : i32
      %dma_wait3A_355 = arith.constant 0 : i32
      %dma_wait3A_356 = tpu.memref_slice %arg3[%arg1, %dma_wait3A_354, %dma_wait3A_355] : memref<16x250x80xi32, #tpu.memory_space<hbm>> -> memref<1x250x80xi32, #tpu.memory_space<hbm>>
      %dma_wait3A_357 = tpu.memref_squeeze %dma_wait3A_356 : memref<1x250x80xi32, #tpu.memory_space<hbm>> -> memref<250x80xi32, #tpu.memory_space<hbm>>
      %dma_wait3A_358 = arith.constant 0 : i32
      %dma_wait3A_359 = arith.constant 0 : i32
      %dma_wait3A_360 = tpu.memref_slice %arg3[%arg1, %dma_wait3A_358, %dma_wait3A_359] : memref<16x250x80xi32, #tpu.memory_space<hbm>> -> memref<1x250x80xi32, #tpu.memory_space<hbm>>
      %dma_wait3A_361 = tpu.memref_squeeze %dma_wait3A_360 : memref<1x250x80xi32, #tpu.memory_space<hbm>> -> memref<250x80xi32, #tpu.memory_space<hbm>>
      tpu.wait_dma2 semaphore(%run_scoped3A : memref<!tpu.dma_semaphore, #tpu.memory_space<semaphore_mem>>) src(%dma_wait3A_361 : memref<250x80xi32, #tpu.memory_space<hbm>>) dst(%arg7 : memref<250x80xi32, #tpu.memory_space<vmem>>)
      tpu.yield
    }) : () -> ()
    "tpu.region"() ({
      %run_scoped3A = tpu.sem_alloc : memref<!tpu.dma_semaphore, #tpu.memory_space<semaphore_mem>>
      %dma_start3A_346 = arith.constant 0 : i32
      %dma_start3A_347 = arith.constant 0 : i32
      %dma_start3A_348 = tpu.memref_slice %arg4[%arg1, %dma_start3A_346, %dma_start3A_347] : memref<16x250x80xi32, #tpu.memory_space<hbm>> -> memref<1x250x80xi32, #tpu.memory_space<hbm>>
      %dma_start3A_349 = tpu.memref_squeeze %dma_start3A_348 : memref<1x250x80xi32, #tpu.memory_space<hbm>> -> memref<250x80xi32, #tpu.memory_space<hbm>>
      %dma_start3A_350 = arith.constant 0 : i32
      %dma_start3A_351 = arith.constant 0 : i32
      %dma_start3A_352 = tpu.memref_slice %arg4[%arg1, %dma_start3A_350, %dma_start3A_351] : memref<16x250x80xi32, #tpu.memory_space<hbm>> -> memref<1x250x80xi32, #tpu.memory_space<hbm>>
      %dma_start3A_353 = tpu.memref_squeeze %dma_start3A_352 : memref<1x250x80xi32, #tpu.memory_space<hbm>> -> memref<250x80xi32, #tpu.memory_space<hbm>>
      tpu.enqueue_dma source(%dma_start3A_353 : memref<250x80xi32, #tpu.memory_space<hbm>>) target(%arg8 : memref<250x80xi32, #tpu.memory_space<vmem>>) target_semaphore(%run_scoped3A : memref<!tpu.dma_semaphore, #tpu.memory_space<semaphore_mem>>)
      %dma_wait3A_354 = arith.constant 0 : i32
      %dma_wait3A_355 = arith.constant 0 : i32
      %dma_wait3A_356 = tpu.memref_slice %arg4[%arg1, %dma_wait3A_354, %dma_wait3A_355] : memref<16x250x80xi32, #tpu.memory_space<hbm>> -> memref<1x250x80xi32, #tpu.memory_space<hbm>>
      %dma_wait3A_357 = tpu.memref_squeeze %dma_wait3A_356 : memref<1x250x80xi32, #tpu.memory_space<hbm>> -> memref<250x80xi32, #tpu.memory_space<hbm>>
      %dma_wait3A_358 = arith.constant 0 : i32
      %dma_wait3A_359 = arith.constant 0 : i32
      %dma_wait3A_360 = tpu.memref_slice %arg4[%arg1, %dma_wait3A_358, %dma_wait3A_359] : memref<16x250x80xi32, #tpu.memory_space<hbm>> -> memref<1x250x80xi32, #tpu.memory_space<hbm>>
      %dma_wait3A_361 = tpu.memref_squeeze %dma_wait3A_360 : memref<1x250x80xi32, #tpu.memory_space<hbm>> -> memref<250x80xi32, #tpu.memory_space<hbm>>
      tpu.wait_dma2 semaphore(%run_scoped3A : memref<!tpu.dma_semaphore, #tpu.memory_space<semaphore_mem>>) src(%dma_wait3A_361 : memref<250x80xi32, #tpu.memory_space<hbm>>) dst(%arg8 : memref<250x80xi32, #tpu.memory_space<vmem>>)
      tpu.yield
    }) : () -> ()
    %mul3A = arith.constant 10000 : i32
    %mul3A_0 = arith.muli %arg0, %mul3A : i32
    %scan3A = arith.constant 0 : i32
    %scan3A_1 = arith.constant 0 : i32
    %scan3A_2 = arith.constant 6 : i32
    %scan3A_3 = arith.addi %scan3A_1, %scan3A_2 : i32
    %scan3A_4 = arith.constant 1 : i32
    %scan3A_5 = scf.for %scan3A_346 = %scan3A_1 to %scan3A_3 step %scan3A_4 iter_args(%scan3A_347 = %scan3A) -> (i32)  : i32 {
      %get3A = arith.index_cast %scan3A_346 : i32 to index
      %get3A_348 = arith.constant 0 : index
      %get3A_349 = tpu.vector_load %arg7[%get3A, %get3A_348] {strides = array<i32>} : memref<250x80xi32, #tpu.memory_space<vmem>>, vector<1x16xi32>,
      %get3A_350 = vector.shape_cast %get3A_349 : vector<1x16xi32> to vector<16xi32>
      %add3A_351 = vector.broadcast %mul3A_0 : i32 to vector<16xi32>
      %add3A_352 = arith.addi %get3A_350, %add3A_351 : vector<16xi32>
      %swap3A = arith.index_cast %scan3A_346 : i32 to index
      %swap3A_353 = arith.constant 0 : index
      %swap3A_354 = tpu.vector_load %arg7[%swap3A, %swap3A_353] {strides = array<i32>} : memref<250x80xi32, #tpu.memory_space<vmem>>, vector<1x16xi32>,
      %swap3A_355 = vector.shape_cast %swap3A_354 : vector<1x16xi32> to vector<16xi32>
      %swap3A_356 = vector.shape_cast %add3A_352 : vector<16xi32> to vector<1x16xi32>
      tpu.vector_store %arg7[%swap3A, %swap3A_353], %swap3A_356 {strides = array<i32>} : memref<250x80xi32, #tpu.memory_space<vmem>>, vector<1x16xi32>,
      %get3A_357 = arith.index_cast %scan3A_346 : i32 to index
      %get3A_358 = arith.constant 16 : index
      %get3A_359 = tpu.vector_load %arg7[%get3A_357, %get3A_358] {strides = array<i32>} : memref<250x80xi32, #tpu.memory_space<vmem>>, vector<1x16xi32>,
      %get3A_360 = vector.shape_cast %get3A_359 : vector<1x16xi32> to vector<16xi32>
      %add3A_361 = vector.broadcast %mul3A_0 : i32 to vector<16xi32>
      %add3A_362 = arith.addi %get3A_360, %add3A_361 : vector<16xi32>
      %swap3A_363 = arith.index_cast %scan3A_346 : i32 to index
      %swap3A_364 = arith.constant 16 : index
      %swap3A_365 = tpu.vector_load %arg7[%swap3A_363, %swap3A_364] {strides = array<i32>} : memref<250x80xi32, #tpu.memory_space<vmem>>, vector<1x16xi32>,
      %swap3A_366 = vector.shape_cast %swap3A_365 : vector<1x16xi32> to vector<16xi32>
      %swap3A_367 = vector.shape_cast %add3A_362 : vector<16xi32> to vector<1x16xi32>
      tpu.vector_store %arg7[%swap3A_363, %swap3A_364], %swap3A_367 {strides = array<i32>} : memref<250x80xi32, #tpu.memory_space<vmem>>, vector<1x16xi32>,
      %get3A_368 = arith.index_cast %scan3A_346 : i32 to index
      %get3A_369 = arith.constant 32 : index
      %get3A_370 = tpu.vector_load %arg7[%get3A_368, %get3A_369] {strides = array<i32>} : memref<250x80xi32, #tpu.memory_space<vmem>>, vector<1x16xi32>,
      %get3A_371 = vector.shape_cast %get3A_370 : vector<1x16xi32> to vector<16xi32>
      %add3A_372 = vector.broadcast %mul3A_0 : i32 to vector<16xi32>
      %add3A_373 = arith.addi %get3A_371, %add3A_372 : vector<16xi32>
      %swap3A_374 = arith.index_cast %scan3A_346 : i32 to index
      %swap3A_375 = arith.constant 32 : index
      %swap3A_376 = tpu.vector_load %arg7[%swap3A_374, %swap3A_375] {strides = array<i32>} : memref<250x80xi32, #tpu.memory_space<vmem>>, vector<1x16xi32>,
      %swap3A_377 = vector.shape_cast %swap3A_376 : vector<1x16xi32> to vector<16xi32>
      %swap3A_378 = vector.shape_cast %add3A_373 : vector<16xi32> to vector<1x16xi32>
      tpu.vector_store %arg7[%swap3A_374, %swap3A_375], %swap3A_378 {strides = array<i32>} : memref<250x80xi32, #tpu.memory_space<vmem>>, vector<1x16xi32>,
      %get3A_379 = arith.index_cast %scan3A_346 : i32 to index
      %get3A_380 = arith.constant 48 : index
      %get3A_381 = tpu.vector_load %arg7[%get3A_379, %get3A_380] {strides = array<i32>} : memref<250x80xi32, #tpu.memory_space<vmem>>, vector<1x16xi32>,
      %get3A_382 = vector.shape_cast %get3A_381 : vector<1x16xi32> to vector<16xi32>
      %add3A_383 = vector.broadcast %mul3A_0 : i32 to vector<16xi32>
      %add3A_384 = arith.addi %get3A_382, %add3A_383 : vector<16xi32>
      %swap3A_385 = arith.index_cast %scan3A_346 : i32 to index
      %swap3A_386 = arith.constant 48 : index
      %swap3A_387 = tpu.vector_load %arg7[%swap3A_385, %swap3A_386] {strides = array<i32>} : memref<250x80xi32, #tpu.memory_space<vmem>>, vector<1x16xi32>,
      %swap3A_388 = vector.shape_cast %swap3A_387 : vector<1x16xi32> to vector<16xi32>
      %swap3A_389 = vector.shape_cast %add3A_384 : vector<16xi32> to vector<1x16xi32>
      tpu.vector_store %arg7[%swap3A_385, %swap3A_386], %swap3A_389 {strides = array<i32>} : memref<250x80xi32, #tpu.memory_space<vmem>>, vector<1x16xi32>,
      %get3A_390 = arith.index_cast %scan3A_346 : i32 to index
      %get3A_391 = arith.constant 64 : index
      %get3A_392 = tpu.vector_load %arg7[%get3A_390, %get3A_391] {strides = array<i32>} : memref<250x80xi32, #tpu.memory_space<vmem>>, vector<1x16xi32>,
      %get3A_393 = vector.shape_cast %get3A_392 : vector<1x16xi32> to vector<16xi32>
      %add3A_394 = vector.broadcast %mul3A_0 : i32 to vector<16xi32>
      %add3A_395 = arith.addi %get3A_393, %add3A_394 : vector<16xi32>
      %swap3A_396 = arith.index_cast %scan3A_346 : i32 to index
      %swap3A_397 = arith.constant 64 : index
      %swap3A_398 = tpu.vector_load %arg7[%swap3A_396, %swap3A_397] {strides = array<i32>} : memref<250x80xi32, #tpu.memory_space<vmem>>, vector<1x16xi32>,
      %swap3A_399 = vector.shape_cast %swap3A_398 : vector<1x16xi32> to vector<16xi32>
      %swap3A_400 = vector.shape_cast %add3A_395 : vector<16xi32> to vector<1x16xi32>
      tpu.vector_store %arg7[%swap3A_396, %swap3A_397], %swap3A_400 {strides = array<i32>} : memref<250x80xi32, #tpu.memory_space<vmem>>, vector<1x16xi32>,
      %scan3A_401 = arith.constant 0 : i32
      scf.yield %scan3A_401 : i32
    }
    %scan3A_6 = arith.constant 6 : i32
    %dma_start3A = arith.constant 0 : i32
    %dma_start3A_7 = arith.constant 0 : i32
    %dma_start3A_8 = arith.constant 0 : i32
    %dma_start3A_9 = arith.constant 0 : i32
    %dma_start3A_10 = tpu.memref_slice %arg9[%dma_start3A_7, %dma_start3A_8, %dma_start3A_9] : memref<6x80x64xf32, #tpu.memory_space<vmem>> -> memref<1x80x64xf32, #tpu.memory_space<vmem>>
    %dma_start3A_11 = tpu.memref_squeeze %dma_start3A_10 : memref<1x80x64xf32, #tpu.memory_space<vmem>> -> memref<80x64xf32, #tpu.memory_space<vmem>>
    %dma_start3A_12 = arith.constant 0 : i32
    %dma_start3A_13 = tpu.memref_slice %arg7[%dma_start3A, %dma_start3A_12] : memref<250x80xi32, #tpu.memory_space<vmem>> -> memref<1x80xi32, #tpu.memory_space<vmem>>
    %dma_start3A_14 = tpu.memref_squeeze %dma_start3A_13 : memref<1x80xi32, #tpu.memory_space<vmem>> -> memref<80xi32, #tpu.memory_space<vmem>>
    %dma_start3A_15 = arith.constant 0 : i32
    %dma_start3A_16 = arith.constant 0 : i32
    %dma_start3A_17 = tpu.memref_slice %arg2[%dma_start3A_15, %dma_start3A_16] : memref<20000x64xf32, #tpu.memory_space<hbm>> -> memref<20000x64xf32, #tpu.memory_space<hbm>>
    tpu.enqueue_indirect_dma source(%dma_start3A_17 : memref<20000x64xf32, #tpu.memory_space<hbm>>) target(%dma_start3A_11 : memref<80x64xf32, #tpu.memory_space<vmem>>) offsets(%dma_start3A_14 : memref<80xi32, #tpu.memory_space<vmem>>) semaphore(%arg15 : memref<!tpu.dma_semaphore, #tpu.memory_space<semaphore_mem>>)
    %dma_start3A_18 = arith.constant 1 : i32
    %dma_start3A_19 = arith.constant 1 : i32
    %dma_start3A_20 = arith.constant 0 : i32
    %dma_start3A_21 = arith.constant 0 : i32
    %dma_start3A_22 = tpu.memref_slice %arg9[%dma_start3A_19, %dma_start3A_20, %dma_start3A_21] : memref<6x80x64xf32, #tpu.memory_space<vmem>> -> memref<1x80x64xf32, #tpu.memory_space<vmem>>
    %dma_start3A_23 = tpu.memref_squeeze %dma_start3A_22 : memref<1x80x64xf32, #tpu.memory_space<vmem>> -> memref<80x64xf32, #tpu.memory_space<vmem>>
    %dma_start3A_24 = arith.constant 0 : i32
    %dma_start3A_25 = tpu.memref_slice %arg7[%dma_start3A_18, %dma_start3A_24] : memref<250x80xi32, #tpu.memory_space<vmem>> -> memref<1x80xi32, #tpu.memory_space<vmem>>
    %dma_start3A_26 = tpu.memref_squeeze %dma_start3A_25 : memref<1x80xi32, #tpu.memory_space<vmem>> -> memref<80xi32, #tpu.memory_space<vmem>>
    %dma_start3A_27 = arith.constant 0 : i32
    %dma_start3A_28 = arith.constant 0 : i32
    %dma_start3A_29 = tpu.memref_slice %arg2[%dma_start3A_27, %dma_start3A_28] : memref<20000x64xf32, #tpu.memory_space<hbm>> -> memref<20000x64xf32, #tpu.memory_space<hbm>>
    tpu.enqueue_indirect_dma source(%dma_start3A_29 : memref<20000x64xf32, #tpu.memory_space<hbm>>) target(%dma_start3A_23 : memref<80x64xf32, #tpu.memory_space<vmem>>) offsets(%dma_start3A_26 : memref<80xi32, #tpu.memory_space<vmem>>) semaphore(%arg16 : memref<!tpu.dma_semaphore, #tpu.memory_space<semaphore_mem>>)
    %dma_start3A_30 = arith.constant 2 : i32
    %dma_start3A_31 = arith.constant 2 : i32
    %dma_start3A_32 = arith.constant 0 : i32
    %dma_start3A_33 = arith.constant 0 : i32
    %dma_start3A_34 = tpu.memref_slice %arg9[%dma_start3A_31, %dma_start3A_32, %dma_start3A_33] : memref<6x80x64xf32, #tpu.memory_space<vmem>> -> memref<1x80x64xf32, #tpu.memory_space<vmem>>
    %dma_start3A_35 = tpu.memref_squeeze %dma_start3A_34 : memref<1x80x64xf32, #tpu.memory_space<vmem>> -> memref<80x64xf32, #tpu.memory_space<vmem>>
    %dma_start3A_36 = arith.constant 0 : i32
    %dma_start3A_37 = tpu.memref_slice %arg7[%dma_start3A_30, %dma_start3A_36] : memref<250x80xi32, #tpu.memory_space<vmem>> -> memref<1x80xi32, #tpu.memory_space<vmem>>
    %dma_start3A_38 = tpu.memref_squeeze %dma_start3A_37 : memref<1x80xi32, #tpu.memory_space<vmem>> -> memref<80xi32, #tpu.memory_space<vmem>>
    %dma_start3A_39 = arith.constant 0 : i32
    %dma_start3A_40 = arith.constant 0 : i32
    %dma_start3A_41 = tpu.memref_slice %arg2[%dma_start3A_39, %dma_start3A_40] : memref<20000x64xf32, #tpu.memory_space<hbm>> -> memref<20000x64xf32, #tpu.memory_space<hbm>>
    tpu.enqueue_indirect_dma source(%dma_start3A_41 : memref<20000x64xf32, #tpu.memory_space<hbm>>) target(%dma_start3A_35 : memref<80x64xf32, #tpu.memory_space<vmem>>) offsets(%dma_start3A_38 : memref<80xi32, #tpu.memory_space<vmem>>) semaphore(%arg17 : memref<!tpu.dma_semaphore, #tpu.memory_space<semaphore_mem>>)
    %dma_start3A_42 = arith.constant 3 : i32
    %dma_start3A_43 = arith.constant 3 : i32
    %dma_start3A_44 = arith.constant 0 : i32
    %dma_start3A_45 = arith.constant 0 : i32
    %dma_start3A_46 = tpu.memref_slice %arg9[%dma_start3A_43, %dma_start3A_44, %dma_start3A_45] : memref<6x80x64xf32, #tpu.memory_space<vmem>> -> memref<1x80x64xf32, #tpu.memory_space<vmem>>
    %dma_start3A_47 = tpu.memref_squeeze %dma_start3A_46 : memref<1x80x64xf32, #tpu.memory_space<vmem>> -> memref<80x64xf32, #tpu.memory_space<vmem>>
    %dma_start3A_48 = arith.constant 0 : i32
    %dma_start3A_49 = tpu.memref_slice %arg7[%dma_start3A_42, %dma_start3A_48] : memref<250x80xi32, #tpu.memory_space<vmem>> -> memref<1x80xi32, #tpu.memory_space<vmem>>
    %dma_start3A_50 = tpu.memref_squeeze %dma_start3A_49 : memref<1x80xi32, #tpu.memory_space<vmem>> -> memref<80xi32, #tpu.memory_space<vmem>>
    %dma_start3A_51 = arith.constant 0 : i32
    %dma_start3A_52 = arith.constant 0 : i32
    %dma_start3A_53 = tpu.memref_slice %arg2[%dma_start3A_51, %dma_start3A_52] : memref<20000x64xf32, #tpu.memory_space<hbm>> -> memref<20000x64xf32, #tpu.memory_space<hbm>>
    tpu.enqueue_indirect_dma source(%dma_start3A_53 : memref<20000x64xf32, #tpu.memory_space<hbm>>) target(%dma_start3A_47 : memref<80x64xf32, #tpu.memory_space<vmem>>) offsets(%dma_start3A_50 : memref<80xi32, #tpu.memory_space<vmem>>) semaphore(%arg18 : memref<!tpu.dma_semaphore, #tpu.memory_space<semaphore_mem>>)
    %dma_start3A_54 = arith.constant 4 : i32
    %dma_start3A_55 = arith.constant 4 : i32
    %dma_start3A_56 = arith.constant 0 : i32
    %dma_start3A_57 = arith.constant 0 : i32
    %dma_start3A_58 = tpu.memref_slice %arg9[%dma_start3A_55, %dma_start3A_56, %dma_start3A_57] : memref<6x80x64xf32, #tpu.memory_space<vmem>> -> memref<1x80x64xf32, #tpu.memory_space<vmem>>
    %dma_start3A_59 = tpu.memref_squeeze %dma_start3A_58 : memref<1x80x64xf32, #tpu.memory_space<vmem>> -> memref<80x64xf32, #tpu.memory_space<vmem>>
    %dma_start3A_60 = arith.constant 0 : i32
    %dma_start3A_61 = tpu.memref_slice %arg7[%dma_start3A_54, %dma_start3A_60] : memref<250x80xi32, #tpu.memory_space<vmem>> -> memref<1x80xi32, #tpu.memory_space<vmem>>
    %dma_start3A_62 = tpu.memref_squeeze %dma_start3A_61 : memref<1x80xi32, #tpu.memory_space<vmem>> -> memref<80xi32, #tpu.memory_space<vmem>>
    %dma_start3A_63 = arith.constant 0 : i32
    %dma_start3A_64 = arith.constant 0 : i32
    %dma_start3A_65 = tpu.memref_slice %arg2[%dma_start3A_63, %dma_start3A_64] : memref<20000x64xf32, #tpu.memory_space<hbm>> -> memref<20000x64xf32, #tpu.memory_space<hbm>>
    tpu.enqueue_indirect_dma source(%dma_start3A_65 : memref<20000x64xf32, #tpu.memory_space<hbm>>) target(%dma_start3A_59 : memref<80x64xf32, #tpu.memory_space<vmem>>) offsets(%dma_start3A_62 : memref<80xi32, #tpu.memory_space<vmem>>) semaphore(%arg19 : memref<!tpu.dma_semaphore, #tpu.memory_space<semaphore_mem>>)
    %dma_start3A_66 = arith.constant 5 : i32
    %dma_start3A_67 = arith.constant 5 : i32
    %dma_start3A_68 = arith.constant 0 : i32
    %dma_start3A_69 = arith.constant 0 : i32
    %dma_start3A_70 = tpu.memref_slice %arg9[%dma_start3A_67, %dma_start3A_68, %dma_start3A_69] : memref<6x80x64xf32, #tpu.memory_space<vmem>> -> memref<1x80x64xf32, #tpu.memory_space<vmem>>
    %dma_start3A_71 = tpu.memref_squeeze %dma_start3A_70 : memref<1x80x64xf32, #tpu.memory_space<vmem>> -> memref<80x64xf32, #tpu.memory_space<vmem>>
    %dma_start3A_72 = arith.constant 0 : i32
    %dma_start3A_73 = tpu.memref_slice %arg7[%dma_start3A_66, %dma_start3A_72] : memref<250x80xi32, #tpu.memory_space<vmem>> -> memref<1x80xi32, #tpu.memory_space<vmem>>
    %dma_start3A_74 = tpu.memref_squeeze %dma_start3A_73 : memref<1x80xi32, #tpu.memory_space<vmem>> -> memref<80xi32, #tpu.memory_space<vmem>>
    %dma_start3A_75 = arith.constant 0 : i32
    %dma_start3A_76 = arith.constant 0 : i32
    %dma_start3A_77 = tpu.memref_slice %arg2[%dma_start3A_75, %dma_start3A_76] : memref<20000x64xf32, #tpu.memory_space<hbm>> -> memref<20000x64xf32, #tpu.memory_space<hbm>>
    tpu.enqueue_indirect_dma source(%dma_start3A_77 : memref<20000x64xf32, #tpu.memory_space<hbm>>) target(%dma_start3A_71 : memref<80x64xf32, #tpu.memory_space<vmem>>) offsets(%dma_start3A_74 : memref<80xi32, #tpu.memory_space<vmem>>) semaphore(%arg20 : memref<!tpu.dma_semaphore, #tpu.memory_space<semaphore_mem>>)
    %scan3A_78 = arith.constant 0 : i32
    %scan3A_79 = arith.constant 6 : i32
    %scan3A_80 = arith.constant 244 : i32
    %scan3A_81 = arith.addi %scan3A_79, %scan3A_80 : i32
    %scan3A_82 = arith.constant 1 : i32
    %scan3A_83 = scf.for %scan3A_346 = %scan3A_79 to %scan3A_81 step %scan3A_82 iter_args(%scan3A_347 = %scan3A_78) -> (i32)  : i32 {
      %get3A = arith.index_cast %scan3A_346 : i32 to index
      %get3A_348 = arith.constant 0 : index
      %get3A_349 = tpu.vector_load %arg7[%get3A, %get3A_348] {strides = array<i32>} : memref<250x80xi32, #tpu.memory_space<vmem>>, vector<1x16xi32>,
      %get3A_350 = vector.shape_cast %get3A_349 : vector<1x16xi32> to vector<16xi32>
      %add3A_351 = vector.broadcast %mul3A_0 : i32 to vector<16xi32>
      %add3A_352 = arith.addi %get3A_350, %add3A_351 : vector<16xi32>
      %swap3A = arith.index_cast %scan3A_346 : i32 to index
      %swap3A_353 = arith.constant 0 : index
      %swap3A_354 = tpu.vector_load %arg7[%swap3A, %swap3A_353] {strides = array<i32>} : memref<250x80xi32, #tpu.memory_space<vmem>>, vector<1x16xi32>,
      %swap3A_355 = vector.shape_cast %swap3A_354 : vector<1x16xi32> to vector<16xi32>
      %swap3A_356 = vector.shape_cast %add3A_352 : vector<16xi32> to vector<1x16xi32>
      tpu.vector_store %arg7[%swap3A, %swap3A_353], %swap3A_356 {strides = array<i32>} : memref<250x80xi32, #tpu.memory_space<vmem>>, vector<1x16xi32>,
      %get3A_357 = arith.index_cast %scan3A_346 : i32 to index
      %get3A_358 = arith.constant 16 : index
      %get3A_359 = tpu.vector_load %arg7[%get3A_357, %get3A_358] {strides = array<i32>} : memref<250x80xi32, #tpu.memory_space<vmem>>, vector<1x16xi32>,
      %get3A_360 = vector.shape_cast %get3A_359 : vector<1x16xi32> to vector<16xi32>
      %add3A_361 = vector.broadcast %mul3A_0 : i32 to vector<16xi32>
      %add3A_362 = arith.addi %get3A_360, %add3A_361 : vector<16xi32>
      %swap3A_363 = arith.index_cast %scan3A_346 : i32 to index
      %swap3A_364 = arith.constant 16 : index
      %swap3A_365 = tpu.vector_load %arg7[%swap3A_363, %swap3A_364] {strides = array<i32>} : memref<250x80xi32, #tpu.memory_space<vmem>>, vector<1x16xi32>,
      %swap3A_366 = vector.shape_cast %swap3A_365 : vector<1x16xi32> to vector<16xi32>
      %swap3A_367 = vector.shape_cast %add3A_362 : vector<16xi32> to vector<1x16xi32>
      tpu.vector_store %arg7[%swap3A_363, %swap3A_364], %swap3A_367 {strides = array<i32>} : memref<250x80xi32, #tpu.memory_space<vmem>>, vector<1x16xi32>,
      %get3A_368 = arith.index_cast %scan3A_346 : i32 to index
      %get3A_369 = arith.constant 32 : index
      %get3A_370 = tpu.vector_load %arg7[%get3A_368, %get3A_369] {strides = array<i32>} : memref<250x80xi32, #tpu.memory_space<vmem>>, vector<1x16xi32>,
      %get3A_371 = vector.shape_cast %get3A_370 : vector<1x16xi32> to vector<16xi32>
      %add3A_372 = vector.broadcast %mul3A_0 : i32 to vector<16xi32>
      %add3A_373 = arith.addi %get3A_371, %add3A_372 : vector<16xi32>
      %swap3A_374 = arith.index_cast %scan3A_346 : i32 to index
      %swap3A_375 = arith.constant 32 : index
      %swap3A_376 = tpu.vector_load %arg7[%swap3A_374, %swap3A_375] {strides = array<i32>} : memref<250x80xi32, #tpu.memory_space<vmem>>, vector<1x16xi32>,
      %swap3A_377 = vector.shape_cast %swap3A_376 : vector<1x16xi32> to vector<16xi32>
      %swap3A_378 = vector.shape_cast %add3A_373 : vector<16xi32> to vector<1x16xi32>
      tpu.vector_store %arg7[%swap3A_374, %swap3A_375], %swap3A_378 {strides = array<i32>} : memref<250x80xi32, #tpu.memory_space<vmem>>, vector<1x16xi32>,
      %get3A_379 = arith.index_cast %scan3A_346 : i32 to index
      %get3A_380 = arith.constant 48 : index
      %get3A_381 = tpu.vector_load %arg7[%get3A_379, %get3A_380] {strides = array<i32>} : memref<250x80xi32, #tpu.memory_space<vmem>>, vector<1x16xi32>,
      %get3A_382 = vector.shape_cast %get3A_381 : vector<1x16xi32> to vector<16xi32>
      %add3A_383 = vector.broadcast %mul3A_0 : i32 to vector<16xi32>
      %add3A_384 = arith.addi %get3A_382, %add3A_383 : vector<16xi32>
      %swap3A_385 = arith.index_cast %scan3A_346 : i32 to index
      %swap3A_386 = arith.constant 48 : index
      %swap3A_387 = tpu.vector_load %arg7[%swap3A_385, %swap3A_386] {strides = array<i32>} : memref<250x80xi32, #tpu.memory_space<vmem>>, vector<1x16xi32>,
      %swap3A_388 = vector.shape_cast %swap3A_387 : vector<1x16xi32> to vector<16xi32>
      %swap3A_389 = vector.shape_cast %add3A_384 : vector<16xi32> to vector<1x16xi32>
      tpu.vector_store %arg7[%swap3A_385, %swap3A_386], %swap3A_389 {strides = array<i32>} : memref<250x80xi32, #tpu.memory_space<vmem>>, vector<1x16xi32>,
      %get3A_390 = arith.index_cast %scan3A_346 : i32 to index
      %get3A_391 = arith.constant 64 : index
      %get3A_392 = tpu.vector_load %arg7[%get3A_390, %get3A_391] {strides = array<i32>} : memref<250x80xi32, #tpu.memory_space<vmem>>, vector<1x16xi32>,
      %get3A_393 = vector.shape_cast %get3A_392 : vector<1x16xi32> to vector<16xi32>
      %add3A_394 = vector.broadcast %mul3A_0 : i32 to vector<16xi32>
      %add3A_395 = arith.addi %get3A_393, %add3A_394 : vector<16xi32>
      %swap3A_396 = arith.index_cast %scan3A_346 : i32 to index
      %swap3A_397 = arith.constant 64 : index
      %swap3A_398 = tpu.vector_load %arg7[%swap3A_396, %swap3A_397] {strides = array<i32>} : memref<250x80xi32, #tpu.memory_space<vmem>>, vector<1x16xi32>,
      %swap3A_399 = vector.shape_cast %swap3A_398 : vector<1x16xi32> to vector<16xi32>
      %swap3A_400 = vector.shape_cast %add3A_395 : vector<16xi32> to vector<1x16xi32>
      tpu.vector_store %arg7[%swap3A_396, %swap3A_397], %swap3A_400 {strides = array<i32>} : memref<250x80xi32, #tpu.memory_space<vmem>>, vector<1x16xi32>,
      %scan3A_401 = arith.constant 0 : i32
      scf.yield %scan3A_401 : i32
    }
    %scan3A_84 = arith.constant 244 : i32
    %scan3A_85 = arith.constant 0 : i32
    %scan3A_86 = arith.constant 0 : i32
    %scan3A_87 = arith.constant 128 : i32
    %scan3A_88 = arith.addi %scan3A_86, %scan3A_87 : i32
    %scan3A_89 = arith.constant 1 : i32
    %scan3A_90 = scf.for %scan3A_346 = %scan3A_86 to %scan3A_88 step %scan3A_89 iter_args(%scan3A_347 = %scan3A_85) -> (i32)  : i32 {
      %broadcast_in_dim3A = arith.constant 0.000000e+00 : f32
      %broadcast_in_dim3A_348 = vector.broadcast %broadcast_in_dim3A : f32 to vector<16xf32>
      %swap3A = arith.index_cast %scan3A_346 : i32 to index
      %swap3A_349 = arith.constant 0 : index
      %swap3A_350 = tpu.vector_load %arg11[%swap3A, %swap3A_349] {strides = array<i32>} : memref<128x64xf32, #tpu.memory_space<vmem>>, vector<1x16xf32>,
      %swap3A_351 = vector.shape_cast %swap3A_350 : vector<1x16xf32> to vector<16xf32>
      %swap3A_352 = vector.shape_cast %broadcast_in_dim3A_348 : vector<16xf32> to vector<1x16xf32>
      tpu.vector_store %arg11[%swap3A, %swap3A_349], %swap3A_352 {strides = array<i32>} : memref<128x64xf32, #tpu.memory_space<vmem>>, vector<1x16xf32>,
      %broadcast_in_dim3A_353 = arith.constant 0.000000e+00 : f32
      %broadcast_in_dim3A_354 = vector.broadcast %broadcast_in_dim3A_353 : f32 to vector<16xf32>
      %swap3A_355 = arith.index_cast %scan3A_346 : i32 to index
      %swap3A_356 = arith.constant 16 : index
      %swap3A_357 = tpu.vector_load %arg11[%swap3A_355, %swap3A_356] {strides = array<i32>} : memref<128x64xf32, #tpu.memory_space<vmem>>, vector<1x16xf32>,
      %swap3A_358 = vector.shape_cast %swap3A_357 : vector<1x16xf32> to vector<16xf32>
      %swap3A_359 = vector.shape_cast %broadcast_in_dim3A_354 : vector<16xf32> to vector<1x16xf32>
      tpu.vector_store %arg11[%swap3A_355, %swap3A_356], %swap3A_359 {strides = array<i32>} : memref<128x64xf32, #tpu.memory_space<vmem>>, vector<1x16xf32>,
      %broadcast_in_dim3A_360 = arith.constant 0.000000e+00 : f32
      %broadcast_in_dim3A_361 = vector.broadcast %broadcast_in_dim3A_360 : f32 to vector<16xf32>
      %swap3A_362 = arith.index_cast %scan3A_346 : i32 to index
      %swap3A_363 = arith.constant 32 : index
      %swap3A_364 = tpu.vector_load %arg11[%swap3A_362, %swap3A_363] {strides = array<i32>} : memref<128x64xf32, #tpu.memory_space<vmem>>, vector<1x16xf32>,
      %swap3A_365 = vector.shape_cast %swap3A_364 : vector<1x16xf32> to vector<16xf32>
      %swap3A_366 = vector.shape_cast %broadcast_in_dim3A_361 : vector<16xf32> to vector<1x16xf32>
      tpu.vector_store %arg11[%swap3A_362, %swap3A_363], %swap3A_366 {strides = array<i32>} : memref<128x64xf32, #tpu.memory_space<vmem>>, vector<1x16xf32>,
      %broadcast_in_dim3A_367 = arith.constant 0.000000e+00 : f32
      %broadcast_in_dim3A_368 = vector.broadcast %broadcast_in_dim3A_367 : f32 to vector<16xf32>
      %swap3A_369 = arith.index_cast %scan3A_346 : i32 to index
      %swap3A_370 = arith.constant 48 : index
      %swap3A_371 = tpu.vector_load %arg11[%swap3A_369, %swap3A_370] {strides = array<i32>} : memref<128x64xf32, #tpu.memory_space<vmem>>, vector<1x16xf32>,
      %swap3A_372 = vector.shape_cast %swap3A_371 : vector<1x16xf32> to vector<16xf32>
      %swap3A_373 = vector.shape_cast %broadcast_in_dim3A_368 : vector<16xf32> to vector<1x16xf32>
      tpu.vector_store %arg11[%swap3A_369, %swap3A_370], %swap3A_373 {strides = array<i32>} : memref<128x64xf32, #tpu.memory_space<vmem>>, vector<1x16xf32>,
      %scan3A_374 = arith.constant 0 : i32
      scf.yield %scan3A_374 : i32
    }
    %scan3A_91 = arith.constant 128 : i32
    %scan3A_92 = arith.constant 0 : i32
    %scan3A_93 = arith.constant 0 : i32
    %scan3A_94 = arith.constant 640 : i32
    %scan3A_95 = arith.addi %scan3A_93, %scan3A_94 : i32
    %scan3A_96 = arith.constant 1 : i32
    %scan3A_97 = scf.for %scan3A_346 = %scan3A_93 to %scan3A_95 step %scan3A_96 iter_args(%scan3A_347 = %scan3A_92) -> (i32)  : i32 {
      %broadcast_in_dim3A = arith.constant 0.000000e+00 : f32
      %broadcast_in_dim3A_348 = vector.broadcast %broadcast_in_dim3A : f32 to vector<8xf32>
      %swap3A = arith.index_cast %scan3A_346 : i32 to index
      %swap3A_349 = arith.constant 0 : index
      %swap3A_350 = tpu.vector_load %arg12[%swap3A, %swap3A_349] {strides = array<i32>} : memref<640x8xf32, #tpu.memory_space<vmem>>, vector<1x8xf32>,
      %swap3A_351 = vector.shape_cast %swap3A_350 : vector<1x8xf32> to vector<8xf32>
      %swap3A_352 = vector.shape_cast %broadcast_in_dim3A_348 : vector<8xf32> to vector<1x8xf32>
      tpu.vector_store %arg12[%swap3A, %swap3A_349], %swap3A_352 {strides = array<i32>} : memref<640x8xf32, #tpu.memory_space<vmem>>, vector<1x8xf32>,
      %scan3A_353 = arith.constant 0 : i32
      scf.yield %scan3A_353 : i32
    }
    %scan3A_98 = arith.constant 640 : i32
    %scan3A_99 = arith.constant 0 : i32
    %scan3A_100 = arith.constant 0 : i32
    %scan3A_101 = arith.constant 80 : i32
    %scan3A_102 = arith.addi %scan3A_100, %scan3A_101 : i32
    %scan3A_103 = arith.constant 1 : i32
    %scan3A_104 = scf.for %scan3A_346 = %scan3A_100 to %scan3A_102 step %scan3A_103 iter_args(%scan3A_347 = %scan3A_99) -> (i32)  : i32 {
      %broadcast_in_dim3A = arith.constant 1.000000e+00 : f32
      %broadcast_in_dim3A_348 = vector.broadcast %broadcast_in_dim3A : f32 to vector<8xf32>
      %swap3A = arith.index_cast %scan3A_346 : i32 to index
      %swap3A_349 = arith.constant 0 : index
      %swap3A_350 = tpu.vector_load %arg10[%swap3A, %swap3A_349] {strides = array<i32>} : memref<80x8xf32, #tpu.memory_space<vmem>>, vector<1x8xf32>,
      %swap3A_351 = vector.shape_cast %swap3A_350 : vector<1x8xf32> to vector<8xf32>
      %swap3A_352 = vector.shape_cast %broadcast_in_dim3A_348 : vector<8xf32> to vector<1x8xf32>
      tpu.vector_store %arg10[%swap3A, %swap3A_349], %swap3A_352 {strides = array<i32>} : memref<80x8xf32, #tpu.memory_space<vmem>>, vector<1x8xf32>,
      %scan3A_353 = arith.constant 0 : i32
      scf.yield %scan3A_353 : i32
    }
    %scan3A_105 = arith.constant 80 : i32
    %mul3A_106 = arith.constant 640 : i32
    %mul3A_107 = arith.muli %arg1, %mul3A_106 : i32
    %add3A = arith.constant 0 : i32
    %add3A_108 = arith.addi %mul3A_107, %add3A : i32
    "tpu.region"() ({
      %run_scoped3A = tpu.sem_alloc : memref<!tpu.dma_semaphore, #tpu.memory_space<semaphore_mem>>
      %dma_start3A_346 = arith.constant 0 : i32
      %dma_start3A_347 = tpu.memref_slice %arg13[%add3A_108, %dma_start3A_346] : memref<10240x64xf32, #tpu.memory_space<vmem_shared>> -> memref<128x64xf32, #tpu.memory_space<vmem_shared>>
      %dma_start3A_348 = arith.constant 0 : i32
      %dma_start3A_349 = tpu.memref_slice %arg13[%add3A_108, %dma_start3A_348] : memref<10240x64xf32, #tpu.memory_space<vmem_shared>> -> memref<128x64xf32, #tpu.memory_space<vmem_shared>>
      tpu.enqueue_dma source(%arg11 : memref<128x64xf32, #tpu.memory_space<vmem>>) target(%dma_start3A_349 : memref<128x64xf32, #tpu.memory_space<vmem_shared>>) target_semaphore(%run_scoped3A : memref<!tpu.dma_semaphore, #tpu.memory_space<semaphore_mem>>)
      %dma_wait3A_350 = arith.constant 0 : i32
      %dma_wait3A_351 = tpu.memref_slice %arg13[%add3A_108, %dma_wait3A_350] : memref<10240x64xf32, #tpu.memory_space<vmem_shared>> -> memref<128x64xf32, #tpu.memory_space<vmem_shared>>
      %dma_wait3A_352 = arith.constant 0 : i32
      %dma_wait3A_353 = tpu.memref_slice %arg13[%add3A_108, %dma_wait3A_352] : memref<10240x64xf32, #tpu.memory_space<vmem_shared>> -> memref<128x64xf32, #tpu.memory_space<vmem_shared>>
      tpu.wait_dma2 semaphore(%run_scoped3A : memref<!tpu.dma_semaphore, #tpu.memory_space<semaphore_mem>>) src(%arg11 : memref<128x64xf32, #tpu.memory_space<vmem>>) dst(%dma_wait3A_353 : memref<128x64xf32, #tpu.memory_space<vmem_shared>>)
      tpu.yield
    }) : () -> ()
    %add3A_109 = arith.constant 128 : i32
    %add3A_110 = arith.addi %mul3A_107, %add3A_109 : i32
    "tpu.region"() ({
      %run_scoped3A = tpu.sem_alloc : memref<!tpu.dma_semaphore, #tpu.memory_space<semaphore_mem>>
      %dma_start3A_346 = arith.constant 0 : i32
      %dma_start3A_347 = tpu.memref_slice %arg13[%add3A_110, %dma_start3A_346] : memref<10240x64xf32, #tpu.memory_space<vmem_shared>> -> memref<128x64xf32, #tpu.memory_space<vmem_shared>>
      %dma_start3A_348 = arith.constant 0 : i32
      %dma_start3A_349 = tpu.memref_slice %arg13[%add3A_110, %dma_start3A_348] : memref<10240x64xf32, #tpu.memory_space<vmem_shared>> -> memref<128x64xf32, #tpu.memory_space<vmem_shared>>
      tpu.enqueue_dma source(%arg11 : memref<128x64xf32, #tpu.memory_space<vmem>>) target(%dma_start3A_349 : memref<128x64xf32, #tpu.memory_space<vmem_shared>>) target_semaphore(%run_scoped3A : memref<!tpu.dma_semaphore, #tpu.memory_space<semaphore_mem>>)
      %dma_wait3A_350 = arith.constant 0 : i32
      %dma_wait3A_351 = tpu.memref_slice %arg13[%add3A_110, %dma_wait3A_350] : memref<10240x64xf32, #tpu.memory_space<vmem_shared>> -> memref<128x64xf32, #tpu.memory_space<vmem_shared>>
      %dma_wait3A_352 = arith.constant 0 : i32
      %dma_wait3A_353 = tpu.memref_slice %arg13[%add3A_110, %dma_wait3A_352] : memref<10240x64xf32, #tpu.memory_space<vmem_shared>> -> memref<128x64xf32, #tpu.memory_space<vmem_shared>>
      tpu.wait_dma2 semaphore(%run_scoped3A : memref<!tpu.dma_semaphore, #tpu.memory_space<semaphore_mem>>) src(%arg11 : memref<128x64xf32, #tpu.memory_space<vmem>>) dst(%dma_wait3A_353 : memref<128x64xf32, #tpu.memory_space<vmem_shared>>)
      tpu.yield
    }) : () -> ()
    %add3A_111 = arith.constant 256 : i32
    %add3A_112 = arith.addi %mul3A_107, %add3A_111 : i32
    "tpu.region"() ({
      %run_scoped3A = tpu.sem_alloc : memref<!tpu.dma_semaphore, #tpu.memory_space<semaphore_mem>>
      %dma_start3A_346 = arith.constant 0 : i32
      %dma_start3A_347 = tpu.memref_slice %arg13[%add3A_112, %dma_start3A_346] : memref<10240x64xf32, #tpu.memory_space<vmem_shared>> -> memref<128x64xf32, #tpu.memory_space<vmem_shared>>
      %dma_start3A_348 = arith.constant 0 : i32
      %dma_start3A_349 = tpu.memref_slice %arg13[%add3A_112, %dma_start3A_348] : memref<10240x64xf32, #tpu.memory_space<vmem_shared>> -> memref<128x64xf32, #tpu.memory_space<vmem_shared>>
      tpu.enqueue_dma source(%arg11 : memref<128x64xf32, #tpu.memory_space<vmem>>) target(%dma_start3A_349 : memref<128x64xf32, #tpu.memory_space<vmem_shared>>) target_semaphore(%run_scoped3A : memref<!tpu.dma_semaphore, #tpu.memory_space<semaphore_mem>>)
      %dma_wait3A_350 = arith.constant 0 : i32
      %dma_wait3A_351 = tpu.memref_slice %arg13[%add3A_112, %dma_wait3A_350] : memref<10240x64xf32, #tpu.memory_space<vmem_shared>> -> memref<128x64xf32, #tpu.memory_space<vmem_shared>>
      %dma_wait3A_352 = arith.constant 0 : i32
      %dma_wait3A_353 = tpu.memref_slice %arg13[%add3A_112, %dma_wait3A_352] : memref<10240x64xf32, #tpu.memory_space<vmem_shared>> -> memref<128x64xf32, #tpu.memory_space<vmem_shared>>
      tpu.wait_dma2 semaphore(%run_scoped3A : memref<!tpu.dma_semaphore, #tpu.memory_space<semaphore_mem>>) src(%arg11 : memref<128x64xf32, #tpu.memory_space<vmem>>) dst(%dma_wait3A_353 : memref<128x64xf32, #tpu.memory_space<vmem_shared>>)
      tpu.yield
    }) : () -> ()
    %add3A_113 = arith.constant 384 : i32
    %add3A_114 = arith.addi %mul3A_107, %add3A_113 : i32
    "tpu.region"() ({
      %run_scoped3A = tpu.sem_alloc : memref<!tpu.dma_semaphore, #tpu.memory_space<semaphore_mem>>
      %dma_start3A_346 = arith.constant 0 : i32
      %dma_start3A_347 = tpu.memref_slice %arg13[%add3A_114, %dma_start3A_346] : memref<10240x64xf32, #tpu.memory_space<vmem_shared>> -> memref<128x64xf32, #tpu.memory_space<vmem_shared>>
      %dma_start3A_348 = arith.constant 0 : i32
      %dma_start3A_349 = tpu.memref_slice %arg13[%add3A_114, %dma_start3A_348] : memref<10240x64xf32, #tpu.memory_space<vmem_shared>> -> memref<128x64xf32, #tpu.memory_space<vmem_shared>>
      tpu.enqueue_dma source(%arg11 : memref<128x64xf32, #tpu.memory_space<vmem>>) target(%dma_start3A_349 : memref<128x64xf32, #tpu.memory_space<vmem_shared>>) target_semaphore(%run_scoped3A : memref<!tpu.dma_semaphore, #tpu.memory_space<semaphore_mem>>)
      %dma_wait3A_350 = arith.constant 0 : i32
      %dma_wait3A_351 = tpu.memref_slice %arg13[%add3A_114, %dma_wait3A_350] : memref<10240x64xf32, #tpu.memory_space<vmem_shared>> -> memref<128x64xf32, #tpu.memory_space<vmem_shared>>
      %dma_wait3A_352 = arith.constant 0 : i32
      %dma_wait3A_353 = tpu.memref_slice %arg13[%add3A_114, %dma_wait3A_352] : memref<10240x64xf32, #tpu.memory_space<vmem_shared>> -> memref<128x64xf32, #tpu.memory_space<vmem_shared>>
      tpu.wait_dma2 semaphore(%run_scoped3A : memref<!tpu.dma_semaphore, #tpu.memory_space<semaphore_mem>>) src(%arg11 : memref<128x64xf32, #tpu.memory_space<vmem>>) dst(%dma_wait3A_353 : memref<128x64xf32, #tpu.memory_space<vmem_shared>>)
      tpu.yield
    }) : () -> ()
    %add3A_115 = arith.constant 512 : i32
    %add3A_116 = arith.addi %mul3A_107, %add3A_115 : i32
    "tpu.region"() ({
      %run_scoped3A = tpu.sem_alloc : memref<!tpu.dma_semaphore, #tpu.memory_space<semaphore_mem>>
      %dma_start3A_346 = arith.constant 0 : i32
      %dma_start3A_347 = tpu.memref_slice %arg13[%add3A_116, %dma_start3A_346] : memref<10240x64xf32, #tpu.memory_space<vmem_shared>> -> memref<128x64xf32, #tpu.memory_space<vmem_shared>>
      %dma_start3A_348 = arith.constant 0 : i32
      %dma_start3A_349 = tpu.memref_slice %arg13[%add3A_116, %dma_start3A_348] : memref<10240x64xf32, #tpu.memory_space<vmem_shared>> -> memref<128x64xf32, #tpu.memory_space<vmem_shared>>
      tpu.enqueue_dma source(%arg11 : memref<128x64xf32, #tpu.memory_space<vmem>>) target(%dma_start3A_349 : memref<128x64xf32, #tpu.memory_space<vmem_shared>>) target_semaphore(%run_scoped3A : memref<!tpu.dma_semaphore, #tpu.memory_space<semaphore_mem>>)
      %dma_wait3A_350 = arith.constant 0 : i32
      %dma_wait3A_351 = tpu.memref_slice %arg13[%add3A_116, %dma_wait3A_350] : memref<10240x64xf32, #tpu.memory_space<vmem_shared>> -> memref<128x64xf32, #tpu.memory_space<vmem_shared>>
      %dma_wait3A_352 = arith.constant 0 : i32
      %dma_wait3A_353 = tpu.memref_slice %arg13[%add3A_116, %dma_wait3A_352] : memref<10240x64xf32, #tpu.memory_space<vmem_shared>> -> memref<128x64xf32, #tpu.memory_space<vmem_shared>>
      tpu.wait_dma2 semaphore(%run_scoped3A : memref<!tpu.dma_semaphore, #tpu.memory_space<semaphore_mem>>) src(%arg11 : memref<128x64xf32, #tpu.memory_space<vmem>>) dst(%dma_wait3A_353 : memref<128x64xf32, #tpu.memory_space<vmem_shared>>)
      tpu.yield
    }) : () -> ()
    "tpu.region"() ({
      %run_scoped3A = tpu.sem_alloc : memref<!tpu.dma_semaphore, #tpu.memory_space<semaphore_mem>>
      %dma_start3A_346 = arith.constant 0 : i32
      %dma_start3A_347 = tpu.memref_slice %arg14[%mul3A_107, %dma_start3A_346] : memref<10240x8xf32, #tpu.memory_space<vmem_shared>> -> memref<640x8xf32, #tpu.memory_space<vmem_shared>>
      %dma_start3A_348 = arith.constant 0 : i32
      %dma_start3A_349 = tpu.memref_slice %arg14[%mul3A_107, %dma_start3A_348] : memref<10240x8xf32, #tpu.memory_space<vmem_shared>> -> memref<640x8xf32, #tpu.memory_space<vmem_shared>>
      tpu.enqueue_dma source(%arg12 : memref<640x8xf32, #tpu.memory_space<vmem>>) target(%dma_start3A_349 : memref<640x8xf32, #tpu.memory_space<vmem_shared>>) target_semaphore(%run_scoped3A : memref<!tpu.dma_semaphore, #tpu.memory_space<semaphore_mem>>)
      %dma_wait3A_350 = arith.constant 0 : i32
      %dma_wait3A_351 = tpu.memref_slice %arg14[%mul3A_107, %dma_wait3A_350] : memref<10240x8xf32, #tpu.memory_space<vmem_shared>> -> memref<640x8xf32, #tpu.memory_space<vmem_shared>>
      %dma_wait3A_352 = arith.constant 0 : i32
      %dma_wait3A_353 = tpu.memref_slice %arg14[%mul3A_107, %dma_wait3A_352] : memref<10240x8xf32, #tpu.memory_space<vmem_shared>> -> memref<640x8xf32, #tpu.memory_space<vmem_shared>>
      tpu.wait_dma2 semaphore(%run_scoped3A : memref<!tpu.dma_semaphore, #tpu.memory_space<semaphore_mem>>) src(%arg12 : memref<640x8xf32, #tpu.memory_space<vmem>>) dst(%dma_wait3A_353 : memref<640x8xf32, #tpu.memory_space<vmem_shared>>)
      tpu.yield
    }) : () -> ()
    %barrier3A = arith.constant 0 : index
    tpu.barrier barrier_id(%barrier3A)
    %mul3A_117 = arith.constant 125 : i32
    %mul3A_118 = arith.muli %arg0, %mul3A_117 : i32
    %scan3A_119 = arith.constant 0 : i32
    %scan3A_120 = arith.constant 0 : i32
    %scan3A_121 = arith.constant 41 : i32
    %scan3A_122 = arith.addi %scan3A_120, %scan3A_121 : i32
    %scan3A_123 = arith.constant 1 : i32
    %scan3A_124 = scf.for %scan3A_346 = %scan3A_120 to %scan3A_122 step %scan3A_123 iter_args(%scan3A_347 = %scan3A_119) -> (i32)  : i32 {
      %mul3A_348 = arith.constant 6 : i32
      %mul3A_349 = arith.muli %scan3A_346, %mul3A_348 : i32
      %add3A_350 = arith.constant 0 : i32
      %add3A_351 = arith.addi %mul3A_349, %add3A_350 : i32
      %dma_wait3A_352 = arith.constant 0 : i32
      %dma_wait3A_353 = arith.constant 0 : i32
      %dma_wait3A_354 = arith.constant 0 : i32
      %dma_wait3A_355 = tpu.memref_slice %arg9[%dma_wait3A_352, %dma_wait3A_353, %dma_wait3A_354] : memref<6x80x64xf32, #tpu.memory_space<vmem>> -> memref<1x80x64xf32, #tpu.memory_space<vmem>>
      %dma_wait3A_356 = tpu.memref_squeeze %dma_wait3A_355 : memref<1x80x64xf32, #tpu.memory_space<vmem>> -> memref<80x64xf32, #tpu.memory_space<vmem>>
      %dma_wait3A_357 = arith.constant 0 : i32
      %dma_wait3A_358 = tpu.memref_slice %arg7[%add3A_351, %dma_wait3A_357] : memref<250x80xi32, #tpu.memory_space<vmem>> -> memref<1x80xi32, #tpu.memory_space<vmem>>
      %dma_wait3A_359 = tpu.memref_squeeze %dma_wait3A_358 : memref<1x80xi32, #tpu.memory_space<vmem>> -> memref<80xi32, #tpu.memory_space<vmem>>
      %dma_wait3A_360 = arith.constant 0 : i32
      %dma_wait3A_361 = arith.constant 0 : i32
      %dma_wait3A_362 = tpu.memref_slice %arg2[%dma_wait3A_360, %dma_wait3A_361] : memref<20000x64xf32, #tpu.memory_space<hbm>> -> memref<20000x64xf32, #tpu.memory_space<hbm>>
      tpu.wait_indirect_dma semaphore(%arg15 : memref<!tpu.dma_semaphore, #tpu.memory_space<semaphore_mem>>) src(%dma_wait3A_362 : memref<20000x64xf32, #tpu.memory_space<hbm>>) dst(%dma_wait3A_356 : memref<80x64xf32, #tpu.memory_space<vmem>>)
      %dma_start3A_363 = arith.constant 0 : i32
      %dma_start3A_364 = arith.constant 0 : i32
      %dma_start3A_365 = arith.constant 0 : i32
      %dma_start3A_366 = tpu.memref_slice %arg9[%dma_start3A_363, %dma_start3A_364, %dma_start3A_365] : memref<6x80x64xf32, #tpu.memory_space<vmem>> -> memref<1x80x64xf32, #tpu.memory_space<vmem>>
      %dma_start3A_367 = tpu.memref_squeeze %dma_start3A_366 : memref<1x80x64xf32, #tpu.memory_space<vmem>> -> memref<80x64xf32, #tpu.memory_space<vmem>>
      %dma_start3A_368 = arith.constant 0 : i32
      %dma_start3A_369 = tpu.memref_slice %arg8[%add3A_351, %dma_start3A_368] : memref<250x80xi32, #tpu.memory_space<vmem>> -> memref<1x80xi32, #tpu.memory_space<vmem>>
      %dma_start3A_370 = tpu.memref_squeeze %dma_start3A_369 : memref<1x80xi32, #tpu.memory_space<vmem>> -> memref<80xi32, #tpu.memory_space<vmem>>
      %dma_start3A_371 = arith.constant 0 : i32
      %dma_start3A_372 = arith.constant 0 : i32
      %dma_start3A_373 = tpu.memref_slice %arg13[%dma_start3A_371, %dma_start3A_372] : memref<10240x64xf32, #tpu.memory_space<vmem_shared>> -> memref<10240x64xf32, #tpu.memory_space<vmem_shared>>
      tpu.enqueue_indirect_dma source(%dma_start3A_367 : memref<80x64xf32, #tpu.memory_space<vmem>>) target(%dma_start3A_373 : memref<10240x64xf32, #tpu.memory_space<vmem_shared>>) offsets(%dma_start3A_370 : memref<80xi32, #tpu.memory_space<vmem>>) semaphore(%arg21 : memref<!tpu.dma_semaphore, #tpu.memory_space<semaphore_mem>>) {add = true}
      %ge3A = arith.cmpi sge, %add3A_351, %mul3A_118 : i32
      %add3A_374 = arith.constant 125 : i32
      %add3A_375 = arith.addi %mul3A_118, %add3A_374 : i32
      %lt3A = arith.cmpi slt, %add3A_351, %add3A_375 : i32
      %and3A_376 = arith.andi %ge3A, %lt3A : i1
      %convert_element_type3A_377 = arith.extui %and3A_376 : i1 to i32
      %cond3A_378 = arith.constant 0 : i32
      %cond3A_379 = arith.cmpi ne, %convert_element_type3A_377, %cond3A_378 : i32
      scf.if %cond3A_379 {
        %dma_start3A_595 = arith.constant 0 : i32
        %dma_start3A_596 = tpu.memref_slice %arg8[%add3A_351, %dma_start3A_595] : memref<250x80xi32, #tpu.memory_space<vmem>> -> memref<1x80xi32, #tpu.memory_space<vmem>>
        %dma_start3A_597 = tpu.memref_squeeze %dma_start3A_596 : memref<1x80xi32, #tpu.memory_space<vmem>> -> memref<80xi32, #tpu.memory_space<vmem>>
        %dma_start3A_598 = arith.constant 0 : i32
        %dma_start3A_599 = arith.constant 0 : i32
        %dma_start3A_600 = tpu.memref_slice %arg14[%dma_start3A_598, %dma_start3A_599] : memref<10240x8xf32, #tpu.memory_space<vmem_shared>> -> memref<10240x8xf32, #tpu.memory_space<vmem_shared>>
        tpu.enqueue_indirect_dma source(%arg10 : memref<80x8xf32, #tpu.memory_space<vmem>>) target(%dma_start3A_600 : memref<10240x8xf32, #tpu.memory_space<vmem_shared>>) offsets(%dma_start3A_597 : memref<80xi32, #tpu.memory_space<vmem>>) semaphore(%arg27 : memref<!tpu.dma_semaphore, #tpu.memory_space<semaphore_mem>>) {add = true}
      } else {
      }
      %add3A_380 = arith.constant 1 : i32
      %add3A_381 = arith.addi %mul3A_349, %add3A_380 : i32
      %dma_wait3A_382 = arith.constant 1 : i32
      %dma_wait3A_383 = arith.constant 0 : i32
      %dma_wait3A_384 = arith.constant 0 : i32
      %dma_wait3A_385 = tpu.memref_slice %arg9[%dma_wait3A_382, %dma_wait3A_383, %dma_wait3A_384] : memref<6x80x64xf32, #tpu.memory_space<vmem>> -> memref<1x80x64xf32, #tpu.memory_space<vmem>>
      %dma_wait3A_386 = tpu.memref_squeeze %dma_wait3A_385 : memref<1x80x64xf32, #tpu.memory_space<vmem>> -> memref<80x64xf32, #tpu.memory_space<vmem>>
      %dma_wait3A_387 = arith.constant 0 : i32
      %dma_wait3A_388 = tpu.memref_slice %arg7[%add3A_381, %dma_wait3A_387] : memref<250x80xi32, #tpu.memory_space<vmem>> -> memref<1x80xi32, #tpu.memory_space<vmem>>
      %dma_wait3A_389 = tpu.memref_squeeze %dma_wait3A_388 : memref<1x80xi32, #tpu.memory_space<vmem>> -> memref<80xi32, #tpu.memory_space<vmem>>
      %dma_wait3A_390 = arith.constant 0 : i32
      %dma_wait3A_391 = arith.constant 0 : i32
      %dma_wait3A_392 = tpu.memref_slice %arg2[%dma_wait3A_390, %dma_wait3A_391] : memref<20000x64xf32, #tpu.memory_space<hbm>> -> memref<20000x64xf32, #tpu.memory_space<hbm>>
      tpu.wait_indirect_dma semaphore(%arg16 : memref<!tpu.dma_semaphore, #tpu.memory_space<semaphore_mem>>) src(%dma_wait3A_392 : memref<20000x64xf32, #tpu.memory_space<hbm>>) dst(%dma_wait3A_386 : memref<80x64xf32, #tpu.memory_space<vmem>>)
      %dma_start3A_393 = arith.constant 1 : i32
      %dma_start3A_394 = arith.constant 0 : i32
      %dma_start3A_395 = arith.constant 0 : i32
      %dma_start3A_396 = tpu.memref_slice %arg9[%dma_start3A_393, %dma_start3A_394, %dma_start3A_395] : memref<6x80x64xf32, #tpu.memory_space<vmem>> -> memref<1x80x64xf32, #tpu.memory_space<vmem>>
      %dma_start3A_397 = tpu.memref_squeeze %dma_start3A_396 : memref<1x80x64xf32, #tpu.memory_space<vmem>> -> memref<80x64xf32, #tpu.memory_space<vmem>>
      %dma_start3A_398 = arith.constant 0 : i32
      %dma_start3A_399 = tpu.memref_slice %arg8[%add3A_381, %dma_start3A_398] : memref<250x80xi32, #tpu.memory_space<vmem>> -> memref<1x80xi32, #tpu.memory_space<vmem>>
      %dma_start3A_400 = tpu.memref_squeeze %dma_start3A_399 : memref<1x80xi32, #tpu.memory_space<vmem>> -> memref<80xi32, #tpu.memory_space<vmem>>
      %dma_start3A_401 = arith.constant 0 : i32
      %dma_start3A_402 = arith.constant 0 : i32
      %dma_start3A_403 = tpu.memref_slice %arg13[%dma_start3A_401, %dma_start3A_402] : memref<10240x64xf32, #tpu.memory_space<vmem_shared>> -> memref<10240x64xf32, #tpu.memory_space<vmem_shared>>
      tpu.enqueue_indirect_dma source(%dma_start3A_397 : memref<80x64xf32, #tpu.memory_space<vmem>>) target(%dma_start3A_403 : memref<10240x64xf32, #tpu.memory_space<vmem_shared>>) offsets(%dma_start3A_400 : memref<80xi32, #tpu.memory_space<vmem>>) semaphore(%arg22 : memref<!tpu.dma_semaphore, #tpu.memory_space<semaphore_mem>>) {add = true}
      %ge3A_404 = arith.cmpi sge, %add3A_381, %mul3A_118 : i32
      %add3A_405 = arith.constant 125 : i32
      %add3A_406 = arith.addi %mul3A_118, %add3A_405 : i32
      %lt3A_407 = arith.cmpi slt, %add3A_381, %add3A_406 : i32
      %and3A_408 = arith.andi %ge3A_404, %lt3A_407 : i1
      %convert_element_type3A_409 = arith.extui %and3A_408 : i1 to i32
      %cond3A_410 = arith.constant 0 : i32
      %cond3A_411 = arith.cmpi ne, %convert_element_type3A_409, %cond3A_410 : i32
      scf.if %cond3A_411 {
        %dma_start3A_595 = arith.constant 0 : i32
        %dma_start3A_596 = tpu.memref_slice %arg8[%add3A_381, %dma_start3A_595] : memref<250x80xi32, #tpu.memory_space<vmem>> -> memref<1x80xi32, #tpu.memory_space<vmem>>
        %dma_start3A_597 = tpu.memref_squeeze %dma_start3A_596 : memref<1x80xi32, #tpu.memory_space<vmem>> -> memref<80xi32, #tpu.memory_space<vmem>>
        %dma_start3A_598 = arith.constant 0 : i32
        %dma_start3A_599 = arith.constant 0 : i32
        %dma_start3A_600 = tpu.memref_slice %arg14[%dma_start3A_598, %dma_start3A_599] : memref<10240x8xf32, #tpu.memory_space<vmem_shared>> -> memref<10240x8xf32, #tpu.memory_space<vmem_shared>>
        tpu.enqueue_indirect_dma source(%arg10 : memref<80x8xf32, #tpu.memory_space<vmem>>) target(%dma_start3A_600 : memref<10240x8xf32, #tpu.memory_space<vmem_shared>>) offsets(%dma_start3A_597 : memref<80xi32, #tpu.memory_space<vmem>>) semaphore(%arg27 : memref<!tpu.dma_semaphore, #tpu.memory_space<semaphore_mem>>) {add = true}
      } else {
      }
      %add3A_412 = arith.constant 2 : i32
      %add3A_413 = arith.addi %mul3A_349, %add3A_412 : i32
      %dma_wait3A_414 = arith.constant 2 : i32
      %dma_wait3A_415 = arith.constant 0 : i32
      %dma_wait3A_416 = arith.constant 0 : i32
      %dma_wait3A_417 = tpu.memref_slice %arg9[%dma_wait3A_414, %dma_wait3A_415, %dma_wait3A_416] : memref<6x80x64xf32, #tpu.memory_space<vmem>> -> memref<1x80x64xf32, #tpu.memory_space<vmem>>
      %dma_wait3A_418 = tpu.memref_squeeze %dma_wait3A_417 : memref<1x80x64xf32, #tpu.memory_space<vmem>> -> memref<80x64xf32, #tpu.memory_space<vmem>>
      %dma_wait3A_419 = arith.constant 0 : i32
      %dma_wait3A_420 = tpu.memref_slice %arg7[%add3A_413, %dma_wait3A_419] : memref<250x80xi32, #tpu.memory_space<vmem>> -> memref<1x80xi32, #tpu.memory_space<vmem>>
      %dma_wait3A_421 = tpu.memref_squeeze %dma_wait3A_420 : memref<1x80xi32, #tpu.memory_space<vmem>> -> memref<80xi32, #tpu.memory_space<vmem>>
      %dma_wait3A_422 = arith.constant 0 : i32
      %dma_wait3A_423 = arith.constant 0 : i32
      %dma_wait3A_424 = tpu.memref_slice %arg2[%dma_wait3A_422, %dma_wait3A_423] : memref<20000x64xf32, #tpu.memory_space<hbm>> -> memref<20000x64xf32, #tpu.memory_space<hbm>>
      tpu.wait_indirect_dma semaphore(%arg17 : memref<!tpu.dma_semaphore, #tpu.memory_space<semaphore_mem>>) src(%dma_wait3A_424 : memref<20000x64xf32, #tpu.memory_space<hbm>>) dst(%dma_wait3A_418 : memref<80x64xf32, #tpu.memory_space<vmem>>)
      %dma_start3A_425 = arith.constant 2 : i32
      %dma_start3A_426 = arith.constant 0 : i32
      %dma_start3A_427 = arith.constant 0 : i32
      %dma_start3A_428 = tpu.memref_slice %arg9[%dma_start3A_425, %dma_start3A_426, %dma_start3A_427] : memref<6x80x64xf32, #tpu.memory_space<vmem>> -> memref<1x80x64xf32, #tpu.memory_space<vmem>>
      %dma_start3A_429 = tpu.memref_squeeze %dma_start3A_428 : memref<1x80x64xf32, #tpu.memory_space<vmem>> -> memref<80x64xf32, #tpu.memory_space<vmem>>
      %dma_start3A_430 = arith.constant 0 : i32
      %dma_start3A_431 = tpu.memref_slice %arg8[%add3A_413, %dma_start3A_430] : memref<250x80xi32, #tpu.memory_space<vmem>> -> memref<1x80xi32, #tpu.memory_space<vmem>>
      %dma_start3A_432 = tpu.memref_squeeze %dma_start3A_431 : memref<1x80xi32, #tpu.memory_space<vmem>> -> memref<80xi32, #tpu.memory_space<vmem>>
      %dma_start3A_433 = arith.constant 0 : i32
      %dma_start3A_434 = arith.constant 0 : i32
      %dma_start3A_435 = tpu.memref_slice %arg13[%dma_start3A_433, %dma_start3A_434] : memref<10240x64xf32, #tpu.memory_space<vmem_shared>> -> memref<10240x64xf32, #tpu.memory_space<vmem_shared>>
      tpu.enqueue_indirect_dma source(%dma_start3A_429 : memref<80x64xf32, #tpu.memory_space<vmem>>) target(%dma_start3A_435 : memref<10240x64xf32, #tpu.memory_space<vmem_shared>>) offsets(%dma_start3A_432 : memref<80xi32, #tpu.memory_space<vmem>>) semaphore(%arg23 : memref<!tpu.dma_semaphore, #tpu.memory_space<semaphore_mem>>) {add = true}
      %ge3A_436 = arith.cmpi sge, %add3A_413, %mul3A_118 : i32
      %add3A_437 = arith.constant 125 : i32
      %add3A_438 = arith.addi %mul3A_118, %add3A_437 : i32
      %lt3A_439 = arith.cmpi slt, %add3A_413, %add3A_438 : i32
      %and3A_440 = arith.andi %ge3A_436, %lt3A_439 : i1
      %convert_element_type3A_441 = arith.extui %and3A_440 : i1 to i32
      %cond3A_442 = arith.constant 0 : i32
      %cond3A_443 = arith.cmpi ne, %convert_element_type3A_441, %cond3A_442 : i32
      scf.if %cond3A_443 {
        %dma_start3A_595 = arith.constant 0 : i32
        %dma_start3A_596 = tpu.memref_slice %arg8[%add3A_413, %dma_start3A_595] : memref<250x80xi32, #tpu.memory_space<vmem>> -> memref<1x80xi32, #tpu.memory_space<vmem>>
        %dma_start3A_597 = tpu.memref_squeeze %dma_start3A_596 : memref<1x80xi32, #tpu.memory_space<vmem>> -> memref<80xi32, #tpu.memory_space<vmem>>
        %dma_start3A_598 = arith.constant 0 : i32
        %dma_start3A_599 = arith.constant 0 : i32
        %dma_start3A_600 = tpu.memref_slice %arg14[%dma_start3A_598, %dma_start3A_599] : memref<10240x8xf32, #tpu.memory_space<vmem_shared>> -> memref<10240x8xf32, #tpu.memory_space<vmem_shared>>
        tpu.enqueue_indirect_dma source(%arg10 : memref<80x8xf32, #tpu.memory_space<vmem>>) target(%dma_start3A_600 : memref<10240x8xf32, #tpu.memory_space<vmem_shared>>) offsets(%dma_start3A_597 : memref<80xi32, #tpu.memory_space<vmem>>) semaphore(%arg27 : memref<!tpu.dma_semaphore, #tpu.memory_space<semaphore_mem>>) {add = true}
      } else {
      }
      %add3A_444 = arith.constant 3 : i32
      %add3A_445 = arith.addi %mul3A_349, %add3A_444 : i32
      %dma_wait3A_446 = arith.constant 3 : i32
      %dma_wait3A_447 = arith.constant 0 : i32
      %dma_wait3A_448 = arith.constant 0 : i32
      %dma_wait3A_449 = tpu.memref_slice %arg9[%dma_wait3A_446, %dma_wait3A_447, %dma_wait3A_448] : memref<6x80x64xf32, #tpu.memory_space<vmem>> -> memref<1x80x64xf32, #tpu.memory_space<vmem>>
      %dma_wait3A_450 = tpu.memref_squeeze %dma_wait3A_449 : memref<1x80x64xf32, #tpu.memory_space<vmem>> -> memref<80x64xf32, #tpu.memory_space<vmem>>
      %dma_wait3A_451 = arith.constant 0 : i32
      %dma_wait3A_452 = tpu.memref_slice %arg7[%add3A_445, %dma_wait3A_451] : memref<250x80xi32, #tpu.memory_space<vmem>> -> memref<1x80xi32, #tpu.memory_space<vmem>>
      %dma_wait3A_453 = tpu.memref_squeeze %dma_wait3A_452 : memref<1x80xi32, #tpu.memory_space<vmem>> -> memref<80xi32, #tpu.memory_space<vmem>>
      %dma_wait3A_454 = arith.constant 0 : i32
      %dma_wait3A_455 = arith.constant 0 : i32
      %dma_wait3A_456 = tpu.memref_slice %arg2[%dma_wait3A_454, %dma_wait3A_455] : memref<20000x64xf32, #tpu.memory_space<hbm>> -> memref<20000x64xf32, #tpu.memory_space<hbm>>
      tpu.wait_indirect_dma semaphore(%arg18 : memref<!tpu.dma_semaphore, #tpu.memory_space<semaphore_mem>>) src(%dma_wait3A_456 : memref<20000x64xf32, #tpu.memory_space<hbm>>) dst(%dma_wait3A_450 : memref<80x64xf32, #tpu.memory_space<vmem>>)
      %dma_start3A_457 = arith.constant 3 : i32
      %dma_start3A_458 = arith.constant 0 : i32
      %dma_start3A_459 = arith.constant 0 : i32
      %dma_start3A_460 = tpu.memref_slice %arg9[%dma_start3A_457, %dma_start3A_458, %dma_start3A_459] : memref<6x80x64xf32, #tpu.memory_space<vmem>> -> memref<1x80x64xf32, #tpu.memory_space<vmem>>
      %dma_start3A_461 = tpu.memref_squeeze %dma_start3A_460 : memref<1x80x64xf32, #tpu.memory_space<vmem>> -> memref<80x64xf32, #tpu.memory_space<vmem>>
      %dma_start3A_462 = arith.constant 0 : i32
      %dma_start3A_463 = tpu.memref_slice %arg8[%add3A_445, %dma_start3A_462] : memref<250x80xi32, #tpu.memory_space<vmem>> -> memref<1x80xi32, #tpu.memory_space<vmem>>
      %dma_start3A_464 = tpu.memref_squeeze %dma_start3A_463 : memref<1x80xi32, #tpu.memory_space<vmem>> -> memref<80xi32, #tpu.memory_space<vmem>>
      %dma_start3A_465 = arith.constant 0 : i32
      %dma_start3A_466 = arith.constant 0 : i32
      %dma_start3A_467 = tpu.memref_slice %arg13[%dma_start3A_465, %dma_start3A_466] : memref<10240x64xf32, #tpu.memory_space<vmem_shared>> -> memref<10240x64xf32, #tpu.memory_space<vmem_shared>>
      tpu.enqueue_indirect_dma source(%dma_start3A_461 : memref<80x64xf32, #tpu.memory_space<vmem>>) target(%dma_start3A_467 : memref<10240x64xf32, #tpu.memory_space<vmem_shared>>) offsets(%dma_start3A_464 : memref<80xi32, #tpu.memory_space<vmem>>) semaphore(%arg24 : memref<!tpu.dma_semaphore, #tpu.memory_space<semaphore_mem>>) {add = true}
      %ge3A_468 = arith.cmpi sge, %add3A_445, %mul3A_118 : i32
      %add3A_469 = arith.constant 125 : i32
      %add3A_470 = arith.addi %mul3A_118, %add3A_469 : i32
      %lt3A_471 = arith.cmpi slt, %add3A_445, %add3A_470 : i32
      %and3A_472 = arith.andi %ge3A_468, %lt3A_471 : i1
      %convert_element_type3A_473 = arith.extui %and3A_472 : i1 to i32
      %cond3A_474 = arith.constant 0 : i32
      %cond3A_475 = arith.cmpi ne, %convert_element_type3A_473, %cond3A_474 : i32
      scf.if %cond3A_475 {
        %dma_start3A_595 = arith.constant 0 : i32
        %dma_start3A_596 = tpu.memref_slice %arg8[%add3A_445, %dma_start3A_595] : memref<250x80xi32, #tpu.memory_space<vmem>> -> memref<1x80xi32, #tpu.memory_space<vmem>>
        %dma_start3A_597 = tpu.memref_squeeze %dma_start3A_596 : memref<1x80xi32, #tpu.memory_space<vmem>> -> memref<80xi32, #tpu.memory_space<vmem>>
        %dma_start3A_598 = arith.constant 0 : i32
        %dma_start3A_599 = arith.constant 0 : i32
        %dma_start3A_600 = tpu.memref_slice %arg14[%dma_start3A_598, %dma_start3A_599] : memref<10240x8xf32, #tpu.memory_space<vmem_shared>> -> memref<10240x8xf32, #tpu.memory_space<vmem_shared>>
        tpu.enqueue_indirect_dma source(%arg10 : memref<80x8xf32, #tpu.memory_space<vmem>>) target(%dma_start3A_600 : memref<10240x8xf32, #tpu.memory_space<vmem_shared>>) offsets(%dma_start3A_597 : memref<80xi32, #tpu.memory_space<vmem>>) semaphore(%arg27 : memref<!tpu.dma_semaphore, #tpu.memory_space<semaphore_mem>>) {add = true}
      } else {
      }
      %add3A_476 = arith.constant 4 : i32
      %add3A_477 = arith.addi %mul3A_349, %add3A_476 : i32
      %dma_wait3A_478 = arith.constant 4 : i32
      %dma_wait3A_479 = arith.constant 0 : i32
      %dma_wait3A_480 = arith.constant 0 : i32
      %dma_wait3A_481 = tpu.memref_slice %arg9[%dma_wait3A_478, %dma_wait3A_479, %dma_wait3A_480] : memref<6x80x64xf32, #tpu.memory_space<vmem>> -> memref<1x80x64xf32, #tpu.memory_space<vmem>>
      %dma_wait3A_482 = tpu.memref_squeeze %dma_wait3A_481 : memref<1x80x64xf32, #tpu.memory_space<vmem>> -> memref<80x64xf32, #tpu.memory_space<vmem>>
      %dma_wait3A_483 = arith.constant 0 : i32
      %dma_wait3A_484 = tpu.memref_slice %arg7[%add3A_477, %dma_wait3A_483] : memref<250x80xi32, #tpu.memory_space<vmem>> -> memref<1x80xi32, #tpu.memory_space<vmem>>
      %dma_wait3A_485 = tpu.memref_squeeze %dma_wait3A_484 : memref<1x80xi32, #tpu.memory_space<vmem>> -> memref<80xi32, #tpu.memory_space<vmem>>
      %dma_wait3A_486 = arith.constant 0 : i32
      %dma_wait3A_487 = arith.constant 0 : i32
      %dma_wait3A_488 = tpu.memref_slice %arg2[%dma_wait3A_486, %dma_wait3A_487] : memref<20000x64xf32, #tpu.memory_space<hbm>> -> memref<20000x64xf32, #tpu.memory_space<hbm>>
      tpu.wait_indirect_dma semaphore(%arg19 : memref<!tpu.dma_semaphore, #tpu.memory_space<semaphore_mem>>) src(%dma_wait3A_488 : memref<20000x64xf32, #tpu.memory_space<hbm>>) dst(%dma_wait3A_482 : memref<80x64xf32, #tpu.memory_space<vmem>>)
      %dma_start3A_489 = arith.constant 4 : i32
      %dma_start3A_490 = arith.constant 0 : i32
      %dma_start3A_491 = arith.constant 0 : i32
      %dma_start3A_492 = tpu.memref_slice %arg9[%dma_start3A_489, %dma_start3A_490, %dma_start3A_491] : memref<6x80x64xf32, #tpu.memory_space<vmem>> -> memref<1x80x64xf32, #tpu.memory_space<vmem>>
      %dma_start3A_493 = tpu.memref_squeeze %dma_start3A_492 : memref<1x80x64xf32, #tpu.memory_space<vmem>> -> memref<80x64xf32, #tpu.memory_space<vmem>>
      %dma_start3A_494 = arith.constant 0 : i32
      %dma_start3A_495 = tpu.memref_slice %arg8[%add3A_477, %dma_start3A_494] : memref<250x80xi32, #tpu.memory_space<vmem>> -> memref<1x80xi32, #tpu.memory_space<vmem>>
      %dma_start3A_496 = tpu.memref_squeeze %dma_start3A_495 : memref<1x80xi32, #tpu.memory_space<vmem>> -> memref<80xi32, #tpu.memory_space<vmem>>
      %dma_start3A_497 = arith.constant 0 : i32
      %dma_start3A_498 = arith.constant 0 : i32
      %dma_start3A_499 = tpu.memref_slice %arg13[%dma_start3A_497, %dma_start3A_498] : memref<10240x64xf32, #tpu.memory_space<vmem_shared>> -> memref<10240x64xf32, #tpu.memory_space<vmem_shared>>
      tpu.enqueue_indirect_dma source(%dma_start3A_493 : memref<80x64xf32, #tpu.memory_space<vmem>>) target(%dma_start3A_499 : memref<10240x64xf32, #tpu.memory_space<vmem_shared>>) offsets(%dma_start3A_496 : memref<80xi32, #tpu.memory_space<vmem>>) semaphore(%arg25 : memref<!tpu.dma_semaphore, #tpu.memory_space<semaphore_mem>>) {add = true}
      %ge3A_500 = arith.cmpi sge, %add3A_477, %mul3A_118 : i32
      %add3A_501 = arith.constant 125 : i32
      %add3A_502 = arith.addi %mul3A_118, %add3A_501 : i32
      %lt3A_503 = arith.cmpi slt, %add3A_477, %add3A_502 : i32
      %and3A_504 = arith.andi %ge3A_500, %lt3A_503 : i1
      %convert_element_type3A_505 = arith.extui %and3A_504 : i1 to i32
      %cond3A_506 = arith.constant 0 : i32
      %cond3A_507 = arith.cmpi ne, %convert_element_type3A_505, %cond3A_506 : i32
      scf.if %cond3A_507 {
        %dma_start3A_595 = arith.constant 0 : i32
        %dma_start3A_596 = tpu.memref_slice %arg8[%add3A_477, %dma_start3A_595] : memref<250x80xi32, #tpu.memory_space<vmem>> -> memref<1x80xi32, #tpu.memory_space<vmem>>
        %dma_start3A_597 = tpu.memref_squeeze %dma_start3A_596 : memref<1x80xi32, #tpu.memory_space<vmem>> -> memref<80xi32, #tpu.memory_space<vmem>>
        %dma_start3A_598 = arith.constant 0 : i32
        %dma_start3A_599 = arith.constant 0 : i32
        %dma_start3A_600 = tpu.memref_slice %arg14[%dma_start3A_598, %dma_start3A_599] : memref<10240x8xf32, #tpu.memory_space<vmem_shared>> -> memref<10240x8xf32, #tpu.memory_space<vmem_shared>>
        tpu.enqueue_indirect_dma source(%arg10 : memref<80x8xf32, #tpu.memory_space<vmem>>) target(%dma_start3A_600 : memref<10240x8xf32, #tpu.memory_space<vmem_shared>>) offsets(%dma_start3A_597 : memref<80xi32, #tpu.memory_space<vmem>>) semaphore(%arg27 : memref<!tpu.dma_semaphore, #tpu.memory_space<semaphore_mem>>) {add = true}
      } else {
      }
      %add3A_508 = arith.constant 5 : i32
      %add3A_509 = arith.addi %mul3A_349, %add3A_508 : i32
      %dma_wait3A_510 = arith.constant 5 : i32
      %dma_wait3A_511 = arith.constant 0 : i32
      %dma_wait3A_512 = arith.constant 0 : i32
      %dma_wait3A_513 = tpu.memref_slice %arg9[%dma_wait3A_510, %dma_wait3A_511, %dma_wait3A_512] : memref<6x80x64xf32, #tpu.memory_space<vmem>> -> memref<1x80x64xf32, #tpu.memory_space<vmem>>
      %dma_wait3A_514 = tpu.memref_squeeze %dma_wait3A_513 : memref<1x80x64xf32, #tpu.memory_space<vmem>> -> memref<80x64xf32, #tpu.memory_space<vmem>>
      %dma_wait3A_515 = arith.constant 0 : i32
      %dma_wait3A_516 = tpu.memref_slice %arg7[%add3A_509, %dma_wait3A_515] : memref<250x80xi32, #tpu.memory_space<vmem>> -> memref<1x80xi32, #tpu.memory_space<vmem>>
      %dma_wait3A_517 = tpu.memref_squeeze %dma_wait3A_516 : memref<1x80xi32, #tpu.memory_space<vmem>> -> memref<80xi32, #tpu.memory_space<vmem>>
      %dma_wait3A_518 = arith.constant 0 : i32
      %dma_wait3A_519 = arith.constant 0 : i32
      %dma_wait3A_520 = tpu.memref_slice %arg2[%dma_wait3A_518, %dma_wait3A_519] : memref<20000x64xf32, #tpu.memory_space<hbm>> -> memref<20000x64xf32, #tpu.memory_space<hbm>>
      tpu.wait_indirect_dma semaphore(%arg20 : memref<!tpu.dma_semaphore, #tpu.memory_space<semaphore_mem>>) src(%dma_wait3A_520 : memref<20000x64xf32, #tpu.memory_space<hbm>>) dst(%dma_wait3A_514 : memref<80x64xf32, #tpu.memory_space<vmem>>)
      %dma_start3A_521 = arith.constant 5 : i32
      %dma_start3A_522 = arith.constant 0 : i32
      %dma_start3A_523 = arith.constant 0 : i32
      %dma_start3A_524 = tpu.memref_slice %arg9[%dma_start3A_521, %dma_start3A_522, %dma_start3A_523] : memref<6x80x64xf32, #tpu.memory_space<vmem>> -> memref<1x80x64xf32, #tpu.memory_space<vmem>>
      %dma_start3A_525 = tpu.memref_squeeze %dma_start3A_524 : memref<1x80x64xf32, #tpu.memory_space<vmem>> -> memref<80x64xf32, #tpu.memory_space<vmem>>
      %dma_start3A_526 = arith.constant 0 : i32
      %dma_start3A_527 = tpu.memref_slice %arg8[%add3A_509, %dma_start3A_526] : memref<250x80xi32, #tpu.memory_space<vmem>> -> memref<1x80xi32, #tpu.memory_space<vmem>>
      %dma_start3A_528 = tpu.memref_squeeze %dma_start3A_527 : memref<1x80xi32, #tpu.memory_space<vmem>> -> memref<80xi32, #tpu.memory_space<vmem>>
      %dma_start3A_529 = arith.constant 0 : i32
      %dma_start3A_530 = arith.constant 0 : i32
      %dma_start3A_531 = tpu.memref_slice %arg13[%dma_start3A_529, %dma_start3A_530] : memref<10240x64xf32, #tpu.memory_space<vmem_shared>> -> memref<10240x64xf32, #tpu.memory_space<vmem_shared>>
      tpu.enqueue_indirect_dma source(%dma_start3A_525 : memref<80x64xf32, #tpu.memory_space<vmem>>) target(%dma_start3A_531 : memref<10240x64xf32, #tpu.memory_space<vmem_shared>>) offsets(%dma_start3A_528 : memref<80xi32, #tpu.memory_space<vmem>>) semaphore(%arg26 : memref<!tpu.dma_semaphore, #tpu.memory_space<semaphore_mem>>) {add = true}
      %ge3A_532 = arith.cmpi sge, %add3A_509, %mul3A_118 : i32
      %add3A_533 = arith.constant 125 : i32
      %add3A_534 = arith.addi %mul3A_118, %add3A_533 : i32
      %lt3A_535 = arith.cmpi slt, %add3A_509, %add3A_534 : i32
      %and3A_536 = arith.andi %ge3A_532, %lt3A_535 : i1
      %convert_element_type3A_537 = arith.extui %and3A_536 : i1 to i32
      %cond3A_538 = arith.constant 0 : i32
      %cond3A_539 = arith.cmpi ne, %convert_element_type3A_537, %cond3A_538 : i32
      scf.if %cond3A_539 {
        %dma_start3A_595 = arith.constant 0 : i32
        %dma_start3A_596 = tpu.memref_slice %arg8[%add3A_509, %dma_start3A_595] : memref<250x80xi32, #tpu.memory_space<vmem>> -> memref<1x80xi32, #tpu.memory_space<vmem>>
        %dma_start3A_597 = tpu.memref_squeeze %dma_start3A_596 : memref<1x80xi32, #tpu.memory_space<vmem>> -> memref<80xi32, #tpu.memory_space<vmem>>
        %dma_start3A_598 = arith.constant 0 : i32
        %dma_start3A_599 = arith.constant 0 : i32
        %dma_start3A_600 = tpu.memref_slice %arg14[%dma_start3A_598, %dma_start3A_599] : memref<10240x8xf32, #tpu.memory_space<vmem_shared>> -> memref<10240x8xf32, #tpu.memory_space<vmem_shared>>
        tpu.enqueue_indirect_dma source(%arg10 : memref<80x8xf32, #tpu.memory_space<vmem>>) target(%dma_start3A_600 : memref<10240x8xf32, #tpu.memory_space<vmem_shared>>) offsets(%dma_start3A_597 : memref<80xi32, #tpu.memory_space<vmem>>) semaphore(%arg27 : memref<!tpu.dma_semaphore, #tpu.memory_space<semaphore_mem>>) {add = true}
      } else {
      }
      %add3A_540 = arith.constant 0 : i32
      %add3A_541 = arith.addi %mul3A_349, %add3A_540 : i32
      %add3A_542 = arith.constant 6 : i32
      %add3A_543 = arith.addi %add3A_541, %add3A_542 : i32
      %lt3A_544 = arith.constant 250 : i32
      %lt3A_545 = arith.cmpi slt, %add3A_543, %lt3A_544 : i32
      %convert_element_type3A_546 = arith.extui %lt3A_545 : i1 to i32
      %cond3A_547 = arith.constant 0 : i32
      %cond3A_548 = arith.cmpi ne, %convert_element_type3A_546, %cond3A_547 : i32
      scf.if %cond3A_548 {
        %dma_wait3A_595 = arith.constant 0 : i32
        %dma_wait3A_596 = arith.constant 0 : i32
        %dma_wait3A_597 = arith.constant 0 : i32
        %dma_wait3A_598 = tpu.memref_slice %arg9[%dma_wait3A_595, %dma_wait3A_596, %dma_wait3A_597] : memref<6x80x64xf32, #tpu.memory_space<vmem>> -> memref<1x80x64xf32, #tpu.memory_space<vmem>>
        %dma_wait3A_599 = tpu.memref_squeeze %dma_wait3A_598 : memref<1x80x64xf32, #tpu.memory_space<vmem>> -> memref<80x64xf32, #tpu.memory_space<vmem>>
        %dma_wait3A_600 = arith.constant 0 : i32
        %dma_wait3A_601 = tpu.memref_slice %arg8[%add3A_541, %dma_wait3A_600] : memref<250x80xi32, #tpu.memory_space<vmem>> -> memref<1x80xi32, #tpu.memory_space<vmem>>
        %dma_wait3A_602 = tpu.memref_squeeze %dma_wait3A_601 : memref<1x80xi32, #tpu.memory_space<vmem>> -> memref<80xi32, #tpu.memory_space<vmem>>
        %dma_wait3A_603 = arith.constant 0 : i32
        %dma_wait3A_604 = arith.constant 0 : i32
        %dma_wait3A_605 = tpu.memref_slice %arg13[%dma_wait3A_603, %dma_wait3A_604] : memref<10240x64xf32, #tpu.memory_space<vmem_shared>> -> memref<10240x64xf32, #tpu.memory_space<vmem_shared>>
        tpu.wait_indirect_dma semaphore(%arg21 : memref<!tpu.dma_semaphore, #tpu.memory_space<semaphore_mem>>) src(%dma_wait3A_599 : memref<80x64xf32, #tpu.memory_space<vmem>>) dst(%dma_wait3A_605 : memref<10240x64xf32, #tpu.memory_space<vmem_shared>>)
        %dma_start3A_606 = arith.constant 0 : i32
        %dma_start3A_607 = arith.constant 0 : i32
        %dma_start3A_608 = arith.constant 0 : i32
        %dma_start3A_609 = tpu.memref_slice %arg9[%dma_start3A_606, %dma_start3A_607, %dma_start3A_608] : memref<6x80x64xf32, #tpu.memory_space<vmem>> -> memref<1x80x64xf32, #tpu.memory_space<vmem>>
        %dma_start3A_610 = tpu.memref_squeeze %dma_start3A_609 : memref<1x80x64xf32, #tpu.memory_space<vmem>> -> memref<80x64xf32, #tpu.memory_space<vmem>>
        %dma_start3A_611 = arith.constant 0 : i32
        %dma_start3A_612 = tpu.memref_slice %arg7[%add3A_543, %dma_start3A_611] : memref<250x80xi32, #tpu.memory_space<vmem>> -> memref<1x80xi32, #tpu.memory_space<vmem>>
        %dma_start3A_613 = tpu.memref_squeeze %dma_start3A_612 : memref<1x80xi32, #tpu.memory_space<vmem>> -> memref<80xi32, #tpu.memory_space<vmem>>
        %dma_start3A_614 = arith.constant 0 : i32
        %dma_start3A_615 = arith.constant 0 : i32
        %dma_start3A_616 = tpu.memref_slice %arg2[%dma_start3A_614, %dma_start3A_615] : memref<20000x64xf32, #tpu.memory_space<hbm>> -> memref<20000x64xf32, #tpu.memory_space<hbm>>
        tpu.enqueue_indirect_dma source(%dma_start3A_616 : memref<20000x64xf32, #tpu.memory_space<hbm>>) target(%dma_start3A_610 : memref<80x64xf32, #tpu.memory_space<vmem>>) offsets(%dma_start3A_613 : memref<80xi32, #tpu.memory_space<vmem>>) semaphore(%arg15 : memref<!tpu.dma_semaphore, #tpu.memory_space<semaphore_mem>>)
      } else {
      }
      %add3A_549 = arith.constant 1 : i32
      %add3A_550 = arith.addi %mul3A_349, %add3A_549 : i32
      %add3A_551 = arith.constant 6 : i32
      %add3A_552 = arith.addi %add3A_550, %add3A_551 : i32
      %lt3A_553 = arith.constant 250 : i32
      %lt3A_554 = arith.cmpi slt, %add3A_552, %lt3A_553 : i32
      %convert_element_type3A_555 = arith.extui %lt3A_554 : i1 to i32
      %cond3A_556 = arith.constant 0 : i32
      %cond3A_557 = arith.cmpi ne, %convert_element_type3A_555, %cond3A_556 : i32
      scf.if %cond3A_557 {
        %dma_wait3A_595 = arith.constant 1 : i32
        %dma_wait3A_596 = arith.constant 0 : i32
        %dma_wait3A_597 = arith.constant 0 : i32
        %dma_wait3A_598 = tpu.memref_slice %arg9[%dma_wait3A_595, %dma_wait3A_596, %dma_wait3A_597] : memref<6x80x64xf32, #tpu.memory_space<vmem>> -> memref<1x80x64xf32, #tpu.memory_space<vmem>>
        %dma_wait3A_599 = tpu.memref_squeeze %dma_wait3A_598 : memref<1x80x64xf32, #tpu.memory_space<vmem>> -> memref<80x64xf32, #tpu.memory_space<vmem>>
        %dma_wait3A_600 = arith.constant 0 : i32
        %dma_wait3A_601 = tpu.memref_slice %arg8[%add3A_550, %dma_wait3A_600] : memref<250x80xi32, #tpu.memory_space<vmem>> -> memref<1x80xi32, #tpu.memory_space<vmem>>
        %dma_wait3A_602 = tpu.memref_squeeze %dma_wait3A_601 : memref<1x80xi32, #tpu.memory_space<vmem>> -> memref<80xi32, #tpu.memory_space<vmem>>
        %dma_wait3A_603 = arith.constant 0 : i32
        %dma_wait3A_604 = arith.constant 0 : i32
        %dma_wait3A_605 = tpu.memref_slice %arg13[%dma_wait3A_603, %dma_wait3A_604] : memref<10240x64xf32, #tpu.memory_space<vmem_shared>> -> memref<10240x64xf32, #tpu.memory_space<vmem_shared>>
        tpu.wait_indirect_dma semaphore(%arg22 : memref<!tpu.dma_semaphore, #tpu.memory_space<semaphore_mem>>) src(%dma_wait3A_599 : memref<80x64xf32, #tpu.memory_space<vmem>>) dst(%dma_wait3A_605 : memref<10240x64xf32, #tpu.memory_space<vmem_shared>>)
        %dma_start3A_606 = arith.constant 1 : i32
        %dma_start3A_607 = arith.constant 0 : i32
        %dma_start3A_608 = arith.constant 0 : i32
        %dma_start3A_609 = tpu.memref_slice %arg9[%dma_start3A_606, %dma_start3A_607, %dma_start3A_608] : memref<6x80x64xf32, #tpu.memory_space<vmem>> -> memref<1x80x64xf32, #tpu.memory_space<vmem>>
        %dma_start3A_610 = tpu.memref_squeeze %dma_start3A_609 : memref<1x80x64xf32, #tpu.memory_space<vmem>> -> memref<80x64xf32, #tpu.memory_space<vmem>>
        %dma_start3A_611 = arith.constant 0 : i32
        %dma_start3A_612 = tpu.memref_slice %arg7[%add3A_552, %dma_start3A_611] : memref<250x80xi32, #tpu.memory_space<vmem>> -> memref<1x80xi32, #tpu.memory_space<vmem>>
        %dma_start3A_613 = tpu.memref_squeeze %dma_start3A_612 : memref<1x80xi32, #tpu.memory_space<vmem>> -> memref<80xi32, #tpu.memory_space<vmem>>
        %dma_start3A_614 = arith.constant 0 : i32
        %dma_start3A_615 = arith.constant 0 : i32
        %dma_start3A_616 = tpu.memref_slice %arg2[%dma_start3A_614, %dma_start3A_615] : memref<20000x64xf32, #tpu.memory_space<hbm>> -> memref<20000x64xf32, #tpu.memory_space<hbm>>
        tpu.enqueue_indirect_dma source(%dma_start3A_616 : memref<20000x64xf32, #tpu.memory_space<hbm>>) target(%dma_start3A_610 : memref<80x64xf32, #tpu.memory_space<vmem>>) offsets(%dma_start3A_613 : memref<80xi32, #tpu.memory_space<vmem>>) semaphore(%arg16 : memref<!tpu.dma_semaphore, #tpu.memory_space<semaphore_mem>>)
      } else {
      }
      %add3A_558 = arith.constant 2 : i32
      %add3A_559 = arith.addi %mul3A_349, %add3A_558 : i32
      %add3A_560 = arith.constant 6 : i32
      %add3A_561 = arith.addi %add3A_559, %add3A_560 : i32
      %lt3A_562 = arith.constant 250 : i32
      %lt3A_563 = arith.cmpi slt, %add3A_561, %lt3A_562 : i32
      %convert_element_type3A_564 = arith.extui %lt3A_563 : i1 to i32
      %cond3A_565 = arith.constant 0 : i32
      %cond3A_566 = arith.cmpi ne, %convert_element_type3A_564, %cond3A_565 : i32
      scf.if %cond3A_566 {
        %dma_wait3A_595 = arith.constant 2 : i32
        %dma_wait3A_596 = arith.constant 0 : i32
        %dma_wait3A_597 = arith.constant 0 : i32
        %dma_wait3A_598 = tpu.memref_slice %arg9[%dma_wait3A_595, %dma_wait3A_596, %dma_wait3A_597] : memref<6x80x64xf32, #tpu.memory_space<vmem>> -> memref<1x80x64xf32, #tpu.memory_space<vmem>>
        %dma_wait3A_599 = tpu.memref_squeeze %dma_wait3A_598 : memref<1x80x64xf32, #tpu.memory_space<vmem>> -> memref<80x64xf32, #tpu.memory_space<vmem>>
        %dma_wait3A_600 = arith.constant 0 : i32
        %dma_wait3A_601 = tpu.memref_slice %arg8[%add3A_559, %dma_wait3A_600] : memref<250x80xi32, #tpu.memory_space<vmem>> -> memref<1x80xi32, #tpu.memory_space<vmem>>
        %dma_wait3A_602 = tpu.memref_squeeze %dma_wait3A_601 : memref<1x80xi32, #tpu.memory_space<vmem>> -> memref<80xi32, #tpu.memory_space<vmem>>
        %dma_wait3A_603 = arith.constant 0 : i32
        %dma_wait3A_604 = arith.constant 0 : i32
        %dma_wait3A_605 = tpu.memref_slice %arg13[%dma_wait3A_603, %dma_wait3A_604] : memref<10240x64xf32, #tpu.memory_space<vmem_shared>> -> memref<10240x64xf32, #tpu.memory_space<vmem_shared>>
        tpu.wait_indirect_dma semaphore(%arg23 : memref<!tpu.dma_semaphore, #tpu.memory_space<semaphore_mem>>) src(%dma_wait3A_599 : memref<80x64xf32, #tpu.memory_space<vmem>>) dst(%dma_wait3A_605 : memref<10240x64xf32, #tpu.memory_space<vmem_shared>>)
        %dma_start3A_606 = arith.constant 2 : i32
        %dma_start3A_607 = arith.constant 0 : i32
        %dma_start3A_608 = arith.constant 0 : i32
        %dma_start3A_609 = tpu.memref_slice %arg9[%dma_start3A_606, %dma_start3A_607, %dma_start3A_608] : memref<6x80x64xf32, #tpu.memory_space<vmem>> -> memref<1x80x64xf32, #tpu.memory_space<vmem>>
        %dma_start3A_610 = tpu.memref_squeeze %dma_start3A_609 : memref<1x80x64xf32, #tpu.memory_space<vmem>> -> memref<80x64xf32, #tpu.memory_space<vmem>>
        %dma_start3A_611 = arith.constant 0 : i32
        %dma_start3A_612 = tpu.memref_slice %arg7[%add3A_561, %dma_start3A_611] : memref<250x80xi32, #tpu.memory_space<vmem>> -> memref<1x80xi32, #tpu.memory_space<vmem>>
        %dma_start3A_613 = tpu.memref_squeeze %dma_start3A_612 : memref<1x80xi32, #tpu.memory_space<vmem>> -> memref<80xi32, #tpu.memory_space<vmem>>
        %dma_start3A_614 = arith.constant 0 : i32
        %dma_start3A_615 = arith.constant 0 : i32
        %dma_start3A_616 = tpu.memref_slice %arg2[%dma_start3A_614, %dma_start3A_615] : memref<20000x64xf32, #tpu.memory_space<hbm>> -> memref<20000x64xf32, #tpu.memory_space<hbm>>
        tpu.enqueue_indirect_dma source(%dma_start3A_616 : memref<20000x64xf32, #tpu.memory_space<hbm>>) target(%dma_start3A_610 : memref<80x64xf32, #tpu.memory_space<vmem>>) offsets(%dma_start3A_613 : memref<80xi32, #tpu.memory_space<vmem>>) semaphore(%arg17 : memref<!tpu.dma_semaphore, #tpu.memory_space<semaphore_mem>>)
      } else {
      }
      %add3A_567 = arith.constant 3 : i32
      %add3A_568 = arith.addi %mul3A_349, %add3A_567 : i32
      %add3A_569 = arith.constant 6 : i32
      %add3A_570 = arith.addi %add3A_568, %add3A_569 : i32
      %lt3A_571 = arith.constant 250 : i32
      %lt3A_572 = arith.cmpi slt, %add3A_570, %lt3A_571 : i32
      %convert_element_type3A_573 = arith.extui %lt3A_572 : i1 to i32
      %cond3A_574 = arith.constant 0 : i32
      %cond3A_575 = arith.cmpi ne, %convert_element_type3A_573, %cond3A_574 : i32
      scf.if %cond3A_575 {
        %dma_wait3A_595 = arith.constant 3 : i32
        %dma_wait3A_596 = arith.constant 0 : i32
        %dma_wait3A_597 = arith.constant 0 : i32
        %dma_wait3A_598 = tpu.memref_slice %arg9[%dma_wait3A_595, %dma_wait3A_596, %dma_wait3A_597] : memref<6x80x64xf32, #tpu.memory_space<vmem>> -> memref<1x80x64xf32, #tpu.memory_space<vmem>>
        %dma_wait3A_599 = tpu.memref_squeeze %dma_wait3A_598 : memref<1x80x64xf32, #tpu.memory_space<vmem>> -> memref<80x64xf32, #tpu.memory_space<vmem>>
        %dma_wait3A_600 = arith.constant 0 : i32
        %dma_wait3A_601 = tpu.memref_slice %arg8[%add3A_568, %dma_wait3A_600] : memref<250x80xi32, #tpu.memory_space<vmem>> -> memref<1x80xi32, #tpu.memory_space<vmem>>
        %dma_wait3A_602 = tpu.memref_squeeze %dma_wait3A_601 : memref<1x80xi32, #tpu.memory_space<vmem>> -> memref<80xi32, #tpu.memory_space<vmem>>
        %dma_wait3A_603 = arith.constant 0 : i32
        %dma_wait3A_604 = arith.constant 0 : i32
        %dma_wait3A_605 = tpu.memref_slice %arg13[%dma_wait3A_603, %dma_wait3A_604] : memref<10240x64xf32, #tpu.memory_space<vmem_shared>> -> memref<10240x64xf32, #tpu.memory_space<vmem_shared>>
        tpu.wait_indirect_dma semaphore(%arg24 : memref<!tpu.dma_semaphore, #tpu.memory_space<semaphore_mem>>) src(%dma_wait3A_599 : memref<80x64xf32, #tpu.memory_space<vmem>>) dst(%dma_wait3A_605 : memref<10240x64xf32, #tpu.memory_space<vmem_shared>>)
        %dma_start3A_606 = arith.constant 3 : i32
        %dma_start3A_607 = arith.constant 0 : i32
        %dma_start3A_608 = arith.constant 0 : i32
        %dma_start3A_609 = tpu.memref_slice %arg9[%dma_start3A_606, %dma_start3A_607, %dma_start3A_608] : memref<6x80x64xf32, #tpu.memory_space<vmem>> -> memref<1x80x64xf32, #tpu.memory_space<vmem>>
        %dma_start3A_610 = tpu.memref_squeeze %dma_start3A_609 : memref<1x80x64xf32, #tpu.memory_space<vmem>> -> memref<80x64xf32, #tpu.memory_space<vmem>>
        %dma_start3A_611 = arith.constant 0 : i32
        %dma_start3A_612 = tpu.memref_slice %arg7[%add3A_570, %dma_start3A_611] : memref<250x80xi32, #tpu.memory_space<vmem>> -> memref<1x80xi32, #tpu.memory_space<vmem>>
        %dma_start3A_613 = tpu.memref_squeeze %dma_start3A_612 : memref<1x80xi32, #tpu.memory_space<vmem>> -> memref<80xi32, #tpu.memory_space<vmem>>
        %dma_start3A_614 = arith.constant 0 : i32
        %dma_start3A_615 = arith.constant 0 : i32
        %dma_start3A_616 = tpu.memref_slice %arg2[%dma_start3A_614, %dma_start3A_615] : memref<20000x64xf32, #tpu.memory_space<hbm>> -> memref<20000x64xf32, #tpu.memory_space<hbm>>
        tpu.enqueue_indirect_dma source(%dma_start3A_616 : memref<20000x64xf32, #tpu.memory_space<hbm>>) target(%dma_start3A_610 : memref<80x64xf32, #tpu.memory_space<vmem>>) offsets(%dma_start3A_613 : memref<80xi32, #tpu.memory_space<vmem>>) semaphore(%arg18 : memref<!tpu.dma_semaphore, #tpu.memory_space<semaphore_mem>>)
      } else {
      }
      %add3A_576 = arith.constant 4 : i32
      %add3A_577 = arith.addi %mul3A_349, %add3A_576 : i32
      %add3A_578 = arith.constant 6 : i32
      %add3A_579 = arith.addi %add3A_577, %add3A_578 : i32
      %lt3A_580 = arith.constant 250 : i32
      %lt3A_581 = arith.cmpi slt, %add3A_579, %lt3A_580 : i32
      %convert_element_type3A_582 = arith.extui %lt3A_581 : i1 to i32
      %cond3A_583 = arith.constant 0 : i32
      %cond3A_584 = arith.cmpi ne, %convert_element_type3A_582, %cond3A_583 : i32
      scf.if %cond3A_584 {
        %dma_wait3A_595 = arith.constant 4 : i32
        %dma_wait3A_596 = arith.constant 0 : i32
        %dma_wait3A_597 = arith.constant 0 : i32
        %dma_wait3A_598 = tpu.memref_slice %arg9[%dma_wait3A_595, %dma_wait3A_596, %dma_wait3A_597] : memref<6x80x64xf32, #tpu.memory_space<vmem>> -> memref<1x80x64xf32, #tpu.memory_space<vmem>>
        %dma_wait3A_599 = tpu.memref_squeeze %dma_wait3A_598 : memref<1x80x64xf32, #tpu.memory_space<vmem>> -> memref<80x64xf32, #tpu.memory_space<vmem>>
        %dma_wait3A_600 = arith.constant 0 : i32
        %dma_wait3A_601 = tpu.memref_slice %arg8[%add3A_577, %dma_wait3A_600] : memref<250x80xi32, #tpu.memory_space<vmem>> -> memref<1x80xi32, #tpu.memory_space<vmem>>
        %dma_wait3A_602 = tpu.memref_squeeze %dma_wait3A_601 : memref<1x80xi32, #tpu.memory_space<vmem>> -> memref<80xi32, #tpu.memory_space<vmem>>
        %dma_wait3A_603 = arith.constant 0 : i32
        %dma_wait3A_604 = arith.constant 0 : i32
        %dma_wait3A_605 = tpu.memref_slice %arg13[%dma_wait3A_603, %dma_wait3A_604] : memref<10240x64xf32, #tpu.memory_space<vmem_shared>> -> memref<10240x64xf32, #tpu.memory_space<vmem_shared>>
        tpu.wait_indirect_dma semaphore(%arg25 : memref<!tpu.dma_semaphore, #tpu.memory_space<semaphore_mem>>) src(%dma_wait3A_599 : memref<80x64xf32, #tpu.memory_space<vmem>>) dst(%dma_wait3A_605 : memref<10240x64xf32, #tpu.memory_space<vmem_shared>>)
        %dma_start3A_606 = arith.constant 4 : i32
        %dma_start3A_607 = arith.constant 0 : i32
        %dma_start3A_608 = arith.constant 0 : i32
        %dma_start3A_609 = tpu.memref_slice %arg9[%dma_start3A_606, %dma_start3A_607, %dma_start3A_608] : memref<6x80x64xf32, #tpu.memory_space<vmem>> -> memref<1x80x64xf32, #tpu.memory_space<vmem>>
        %dma_start3A_610 = tpu.memref_squeeze %dma_start3A_609 : memref<1x80x64xf32, #tpu.memory_space<vmem>> -> memref<80x64xf32, #tpu.memory_space<vmem>>
        %dma_start3A_611 = arith.constant 0 : i32
        %dma_start3A_612 = tpu.memref_slice %arg7[%add3A_579, %dma_start3A_611] : memref<250x80xi32, #tpu.memory_space<vmem>> -> memref<1x80xi32, #tpu.memory_space<vmem>>
        %dma_start3A_613 = tpu.memref_squeeze %dma_start3A_612 : memref<1x80xi32, #tpu.memory_space<vmem>> -> memref<80xi32, #tpu.memory_space<vmem>>
        %dma_start3A_614 = arith.constant 0 : i32
        %dma_start3A_615 = arith.constant 0 : i32
        %dma_start3A_616 = tpu.memref_slice %arg2[%dma_start3A_614, %dma_start3A_615] : memref<20000x64xf32, #tpu.memory_space<hbm>> -> memref<20000x64xf32, #tpu.memory_space<hbm>>
        tpu.enqueue_indirect_dma source(%dma_start3A_616 : memref<20000x64xf32, #tpu.memory_space<hbm>>) target(%dma_start3A_610 : memref<80x64xf32, #tpu.memory_space<vmem>>) offsets(%dma_start3A_613 : memref<80xi32, #tpu.memory_space<vmem>>) semaphore(%arg19 : memref<!tpu.dma_semaphore, #tpu.memory_space<semaphore_mem>>)
      } else {
      }
      %add3A_585 = arith.constant 5 : i32
      %add3A_586 = arith.addi %mul3A_349, %add3A_585 : i32
      %add3A_587 = arith.constant 6 : i32
      %add3A_588 = arith.addi %add3A_586, %add3A_587 : i32
      %lt3A_589 = arith.constant 250 : i32
      %lt3A_590 = arith.cmpi slt, %add3A_588, %lt3A_589 : i32
      %convert_element_type3A_591 = arith.extui %lt3A_590 : i1 to i32
      %cond3A_592 = arith.constant 0 : i32
      %cond3A_593 = arith.cmpi ne, %convert_element_type3A_591, %cond3A_592 : i32
      scf.if %cond3A_593 {
        %dma_wait3A_595 = arith.constant 5 : i32
        %dma_wait3A_596 = arith.constant 0 : i32
        %dma_wait3A_597 = arith.constant 0 : i32
        %dma_wait3A_598 = tpu.memref_slice %arg9[%dma_wait3A_595, %dma_wait3A_596, %dma_wait3A_597] : memref<6x80x64xf32, #tpu.memory_space<vmem>> -> memref<1x80x64xf32, #tpu.memory_space<vmem>>
        %dma_wait3A_599 = tpu.memref_squeeze %dma_wait3A_598 : memref<1x80x64xf32, #tpu.memory_space<vmem>> -> memref<80x64xf32, #tpu.memory_space<vmem>>
        %dma_wait3A_600 = arith.constant 0 : i32
        %dma_wait3A_601 = tpu.memref_slice %arg8[%add3A_586, %dma_wait3A_600] : memref<250x80xi32, #tpu.memory_space<vmem>> -> memref<1x80xi32, #tpu.memory_space<vmem>>
        %dma_wait3A_602 = tpu.memref_squeeze %dma_wait3A_601 : memref<1x80xi32, #tpu.memory_space<vmem>> -> memref<80xi32, #tpu.memory_space<vmem>>
        %dma_wait3A_603 = arith.constant 0 : i32
        %dma_wait3A_604 = arith.constant 0 : i32
        %dma_wait3A_605 = tpu.memref_slice %arg13[%dma_wait3A_603, %dma_wait3A_604] : memref<10240x64xf32, #tpu.memory_space<vmem_shared>> -> memref<10240x64xf32, #tpu.memory_space<vmem_shared>>
        tpu.wait_indirect_dma semaphore(%arg26 : memref<!tpu.dma_semaphore, #tpu.memory_space<semaphore_mem>>) src(%dma_wait3A_599 : memref<80x64xf32, #tpu.memory_space<vmem>>) dst(%dma_wait3A_605 : memref<10240x64xf32, #tpu.memory_space<vmem_shared>>)
        %dma_start3A_606 = arith.constant 5 : i32
        %dma_start3A_607 = arith.constant 0 : i32
        %dma_start3A_608 = arith.constant 0 : i32
        %dma_start3A_609 = tpu.memref_slice %arg9[%dma_start3A_606, %dma_start3A_607, %dma_start3A_608] : memref<6x80x64xf32, #tpu.memory_space<vmem>> -> memref<1x80x64xf32, #tpu.memory_space<vmem>>
        %dma_start3A_610 = tpu.memref_squeeze %dma_start3A_609 : memref<1x80x64xf32, #tpu.memory_space<vmem>> -> memref<80x64xf32, #tpu.memory_space<vmem>>
        %dma_start3A_611 = arith.constant 0 : i32
        %dma_start3A_612 = tpu.memref_slice %arg7[%add3A_588, %dma_start3A_611] : memref<250x80xi32, #tpu.memory_space<vmem>> -> memref<1x80xi32, #tpu.memory_space<vmem>>
        %dma_start3A_613 = tpu.memref_squeeze %dma_start3A_612 : memref<1x80xi32, #tpu.memory_space<vmem>> -> memref<80xi32, #tpu.memory_space<vmem>>
        %dma_start3A_614 = arith.constant 0 : i32
        %dma_start3A_615 = arith.constant 0 : i32
        %dma_start3A_616 = tpu.memref_slice %arg2[%dma_start3A_614, %dma_start3A_615] : memref<20000x64xf32, #tpu.memory_space<hbm>> -> memref<20000x64xf32, #tpu.memory_space<hbm>>
        tpu.enqueue_indirect_dma source(%dma_start3A_616 : memref<20000x64xf32, #tpu.memory_space<hbm>>) target(%dma_start3A_610 : memref<80x64xf32, #tpu.memory_space<vmem>>) offsets(%dma_start3A_613 : memref<80xi32, #tpu.memory_space<vmem>>) semaphore(%arg20 : memref<!tpu.dma_semaphore, #tpu.memory_space<semaphore_mem>>)
      } else {
      }
      %scan3A_594 = arith.constant 0 : i32
      scf.yield %scan3A_594 : i32
    }
    %scan3A_125 = arith.constant 41 : i32
    %dma_wait3A = arith.constant 246 : i32
    %dma_wait3A_126 = arith.constant 0 : i32
    %dma_wait3A_127 = arith.constant 0 : i32
    %dma_wait3A_128 = arith.constant 0 : i32
    %dma_wait3A_129 = tpu.memref_slice %arg9[%dma_wait3A_126, %dma_wait3A_127, %dma_wait3A_128] : memref<6x80x64xf32, #tpu.memory_space<vmem>> -> memref<1x80x64xf32, #tpu.memory_space<vmem>>
    %dma_wait3A_130 = tpu.memref_squeeze %dma_wait3A_129 : memref<1x80x64xf32, #tpu.memory_space<vmem>> -> memref<80x64xf32, #tpu.memory_space<vmem>>
    %dma_wait3A_131 = arith.constant 0 : i32
    %dma_wait3A_132 = tpu.memref_slice %arg7[%dma_wait3A, %dma_wait3A_131] : memref<250x80xi32, #tpu.memory_space<vmem>> -> memref<1x80xi32, #tpu.memory_space<vmem>>
    %dma_wait3A_133 = tpu.memref_squeeze %dma_wait3A_132 : memref<1x80xi32, #tpu.memory_space<vmem>> -> memref<80xi32, #tpu.memory_space<vmem>>
    %dma_wait3A_134 = arith.constant 0 : i32
    %dma_wait3A_135 = arith.constant 0 : i32
    %dma_wait3A_136 = tpu.memref_slice %arg2[%dma_wait3A_134, %dma_wait3A_135] : memref<20000x64xf32, #tpu.memory_space<hbm>> -> memref<20000x64xf32, #tpu.memory_space<hbm>>
    tpu.wait_indirect_dma semaphore(%arg15 : memref<!tpu.dma_semaphore, #tpu.memory_space<semaphore_mem>>) src(%dma_wait3A_136 : memref<20000x64xf32, #tpu.memory_space<hbm>>) dst(%dma_wait3A_130 : memref<80x64xf32, #tpu.memory_space<vmem>>)
    %dma_start3A_137 = arith.constant 0 : i32
    %dma_start3A_138 = arith.constant 246 : i32
    %dma_start3A_139 = arith.constant 0 : i32
    %dma_start3A_140 = arith.constant 0 : i32
    %dma_start3A_141 = tpu.memref_slice %arg9[%dma_start3A_137, %dma_start3A_139, %dma_start3A_140] : memref<6x80x64xf32, #tpu.memory_space<vmem>> -> memref<1x80x64xf32, #tpu.memory_space<vmem>>
    %dma_start3A_142 = tpu.memref_squeeze %dma_start3A_141 : memref<1x80x64xf32, #tpu.memory_space<vmem>> -> memref<80x64xf32, #tpu.memory_space<vmem>>
    %dma_start3A_143 = arith.constant 0 : i32
    %dma_start3A_144 = tpu.memref_slice %arg8[%dma_start3A_138, %dma_start3A_143] : memref<250x80xi32, #tpu.memory_space<vmem>> -> memref<1x80xi32, #tpu.memory_space<vmem>>
    %dma_start3A_145 = tpu.memref_squeeze %dma_start3A_144 : memref<1x80xi32, #tpu.memory_space<vmem>> -> memref<80xi32, #tpu.memory_space<vmem>>
    %dma_start3A_146 = arith.constant 0 : i32
    %dma_start3A_147 = arith.constant 0 : i32
    %dma_start3A_148 = tpu.memref_slice %arg13[%dma_start3A_146, %dma_start3A_147] : memref<10240x64xf32, #tpu.memory_space<vmem_shared>> -> memref<10240x64xf32, #tpu.memory_space<vmem_shared>>
    tpu.enqueue_indirect_dma source(%dma_start3A_142 : memref<80x64xf32, #tpu.memory_space<vmem>>) target(%dma_start3A_148 : memref<10240x64xf32, #tpu.memory_space<vmem_shared>>) offsets(%dma_start3A_145 : memref<80xi32, #tpu.memory_space<vmem>>) semaphore(%arg21 : memref<!tpu.dma_semaphore, #tpu.memory_space<semaphore_mem>>) {add = true}
    %le3A = arith.constant 246 : i32
    %le3A_149 = arith.cmpi sle, %mul3A_118, %le3A : i32
    %add3A_150 = arith.constant 125 : i32
    %add3A_151 = arith.addi %mul3A_118, %add3A_150 : i32
    %gt3A = arith.constant 246 : i32
    %gt3A_152 = arith.cmpi sgt, %add3A_151, %gt3A : i32
    %and3A = arith.andi %le3A_149, %gt3A_152 : i1
    %convert_element_type3A = arith.extui %and3A : i1 to i32
    %cond3A = arith.constant 0 : i32
    %cond3A_153 = arith.cmpi ne, %convert_element_type3A, %cond3A : i32
    scf.if %cond3A_153 {
      %dma_start3A_346 = arith.constant 246 : i32
      %dma_start3A_347 = arith.constant 0 : i32
      %dma_start3A_348 = tpu.memref_slice %arg8[%dma_start3A_346, %dma_start3A_347] : memref<250x80xi32, #tpu.memory_space<vmem>> -> memref<1x80xi32, #tpu.memory_space<vmem>>
      %dma_start3A_349 = tpu.memref_squeeze %dma_start3A_348 : memref<1x80xi32, #tpu.memory_space<vmem>> -> memref<80xi32, #tpu.memory_space<vmem>>
      %dma_start3A_350 = arith.constant 0 : i32
      %dma_start3A_351 = arith.constant 0 : i32
      %dma_start3A_352 = tpu.memref_slice %arg14[%dma_start3A_350, %dma_start3A_351] : memref<10240x8xf32, #tpu.memory_space<vmem_shared>> -> memref<10240x8xf32, #tpu.memory_space<vmem_shared>>
      tpu.enqueue_indirect_dma source(%arg10 : memref<80x8xf32, #tpu.memory_space<vmem>>) target(%dma_start3A_352 : memref<10240x8xf32, #tpu.memory_space<vmem_shared>>) offsets(%dma_start3A_349 : memref<80xi32, #tpu.memory_space<vmem>>) semaphore(%arg27 : memref<!tpu.dma_semaphore, #tpu.memory_space<semaphore_mem>>) {add = true}
    } else {
    }
    %dma_wait3A_154 = arith.constant 247 : i32
    %dma_wait3A_155 = arith.constant 1 : i32
    %dma_wait3A_156 = arith.constant 0 : i32
    %dma_wait3A_157 = arith.constant 0 : i32
    %dma_wait3A_158 = tpu.memref_slice %arg9[%dma_wait3A_155, %dma_wait3A_156, %dma_wait3A_157] : memref<6x80x64xf32, #tpu.memory_space<vmem>> -> memref<1x80x64xf32, #tpu.memory_space<vmem>>
    %dma_wait3A_159 = tpu.memref_squeeze %dma_wait3A_158 : memref<1x80x64xf32, #tpu.memory_space<vmem>> -> memref<80x64xf32, #tpu.memory_space<vmem>>
    %dma_wait3A_160 = arith.constant 0 : i32
    %dma_wait3A_161 = tpu.memref_slice %arg7[%dma_wait3A_154, %dma_wait3A_160] : memref<250x80xi32, #tpu.memory_space<vmem>> -> memref<1x80xi32, #tpu.memory_space<vmem>>
    %dma_wait3A_162 = tpu.memref_squeeze %dma_wait3A_161 : memref<1x80xi32, #tpu.memory_space<vmem>> -> memref<80xi32, #tpu.memory_space<vmem>>
    %dma_wait3A_163 = arith.constant 0 : i32
    %dma_wait3A_164 = arith.constant 0 : i32
    %dma_wait3A_165 = tpu.memref_slice %arg2[%dma_wait3A_163, %dma_wait3A_164] : memref<20000x64xf32, #tpu.memory_space<hbm>> -> memref<20000x64xf32, #tpu.memory_space<hbm>>
    tpu.wait_indirect_dma semaphore(%arg16 : memref<!tpu.dma_semaphore, #tpu.memory_space<semaphore_mem>>) src(%dma_wait3A_165 : memref<20000x64xf32, #tpu.memory_space<hbm>>) dst(%dma_wait3A_159 : memref<80x64xf32, #tpu.memory_space<vmem>>)
    %dma_start3A_166 = arith.constant 1 : i32
    %dma_start3A_167 = arith.constant 247 : i32
    %dma_start3A_168 = arith.constant 0 : i32
    %dma_start3A_169 = arith.constant 0 : i32
    %dma_start3A_170 = tpu.memref_slice %arg9[%dma_start3A_166, %dma_start3A_168, %dma_start3A_169] : memref<6x80x64xf32, #tpu.memory_space<vmem>> -> memref<1x80x64xf32, #tpu.memory_space<vmem>>
    %dma_start3A_171 = tpu.memref_squeeze %dma_start3A_170 : memref<1x80x64xf32, #tpu.memory_space<vmem>> -> memref<80x64xf32, #tpu.memory_space<vmem>>
    %dma_start3A_172 = arith.constant 0 : i32
    %dma_start3A_173 = tpu.memref_slice %arg8[%dma_start3A_167, %dma_start3A_172] : memref<250x80xi32, #tpu.memory_space<vmem>> -> memref<1x80xi32, #tpu.memory_space<vmem>>
    %dma_start3A_174 = tpu.memref_squeeze %dma_start3A_173 : memref<1x80xi32, #tpu.memory_space<vmem>> -> memref<80xi32, #tpu.memory_space<vmem>>
    %dma_start3A_175 = arith.constant 0 : i32
    %dma_start3A_176 = arith.constant 0 : i32
    %dma_start3A_177 = tpu.memref_slice %arg13[%dma_start3A_175, %dma_start3A_176] : memref<10240x64xf32, #tpu.memory_space<vmem_shared>> -> memref<10240x64xf32, #tpu.memory_space<vmem_shared>>
    tpu.enqueue_indirect_dma source(%dma_start3A_171 : memref<80x64xf32, #tpu.memory_space<vmem>>) target(%dma_start3A_177 : memref<10240x64xf32, #tpu.memory_space<vmem_shared>>) offsets(%dma_start3A_174 : memref<80xi32, #tpu.memory_space<vmem>>) semaphore(%arg22 : memref<!tpu.dma_semaphore, #tpu.memory_space<semaphore_mem>>) {add = true}
    %le3A_178 = arith.constant 247 : i32
    %le3A_179 = arith.cmpi sle, %mul3A_118, %le3A_178 : i32
    %add3A_180 = arith.constant 125 : i32
    %add3A_181 = arith.addi %mul3A_118, %add3A_180 : i32
    %gt3A_182 = arith.constant 247 : i32
    %gt3A_183 = arith.cmpi sgt, %add3A_181, %gt3A_182 : i32
    %and3A_184 = arith.andi %le3A_179, %gt3A_183 : i1
    %convert_element_type3A_185 = arith.extui %and3A_184 : i1 to i32
    %cond3A_186 = arith.constant 0 : i32
    %cond3A_187 = arith.cmpi ne, %convert_element_type3A_185, %cond3A_186 : i32
    scf.if %cond3A_187 {
      %dma_start3A_346 = arith.constant 247 : i32
      %dma_start3A_347 = arith.constant 0 : i32
      %dma_start3A_348 = tpu.memref_slice %arg8[%dma_start3A_346, %dma_start3A_347] : memref<250x80xi32, #tpu.memory_space<vmem>> -> memref<1x80xi32, #tpu.memory_space<vmem>>
      %dma_start3A_349 = tpu.memref_squeeze %dma_start3A_348 : memref<1x80xi32, #tpu.memory_space<vmem>> -> memref<80xi32, #tpu.memory_space<vmem>>
      %dma_start3A_350 = arith.constant 0 : i32
      %dma_start3A_351 = arith.constant 0 : i32
      %dma_start3A_352 = tpu.memref_slice %arg14[%dma_start3A_350, %dma_start3A_351] : memref<10240x8xf32, #tpu.memory_space<vmem_shared>> -> memref<10240x8xf32, #tpu.memory_space<vmem_shared>>
      tpu.enqueue_indirect_dma source(%arg10 : memref<80x8xf32, #tpu.memory_space<vmem>>) target(%dma_start3A_352 : memref<10240x8xf32, #tpu.memory_space<vmem_shared>>) offsets(%dma_start3A_349 : memref<80xi32, #tpu.memory_space<vmem>>) semaphore(%arg27 : memref<!tpu.dma_semaphore, #tpu.memory_space<semaphore_mem>>) {add = true}
    } else {
    }
    %dma_wait3A_188 = arith.constant 248 : i32
    %dma_wait3A_189 = arith.constant 2 : i32
    %dma_wait3A_190 = arith.constant 0 : i32
    %dma_wait3A_191 = arith.constant 0 : i32
    %dma_wait3A_192 = tpu.memref_slice %arg9[%dma_wait3A_189, %dma_wait3A_190, %dma_wait3A_191] : memref<6x80x64xf32, #tpu.memory_space<vmem>> -> memref<1x80x64xf32, #tpu.memory_space<vmem>>
    %dma_wait3A_193 = tpu.memref_squeeze %dma_wait3A_192 : memref<1x80x64xf32, #tpu.memory_space<vmem>> -> memref<80x64xf32, #tpu.memory_space<vmem>>
    %dma_wait3A_194 = arith.constant 0 : i32
    %dma_wait3A_195 = tpu.memref_slice %arg7[%dma_wait3A_188, %dma_wait3A_194] : memref<250x80xi32, #tpu.memory_space<vmem>> -> memref<1x80xi32, #tpu.memory_space<vmem>>
    %dma_wait3A_196 = tpu.memref_squeeze %dma_wait3A_195 : memref<1x80xi32, #tpu.memory_space<vmem>> -> memref<80xi32, #tpu.memory_space<vmem>>
    %dma_wait3A_197 = arith.constant 0 : i32
    %dma_wait3A_198 = arith.constant 0 : i32
    %dma_wait3A_199 = tpu.memref_slice %arg2[%dma_wait3A_197, %dma_wait3A_198] : memref<20000x64xf32, #tpu.memory_space<hbm>> -> memref<20000x64xf32, #tpu.memory_space<hbm>>
    tpu.wait_indirect_dma semaphore(%arg17 : memref<!tpu.dma_semaphore, #tpu.memory_space<semaphore_mem>>) src(%dma_wait3A_199 : memref<20000x64xf32, #tpu.memory_space<hbm>>) dst(%dma_wait3A_193 : memref<80x64xf32, #tpu.memory_space<vmem>>)
    %dma_start3A_200 = arith.constant 2 : i32
    %dma_start3A_201 = arith.constant 248 : i32
    %dma_start3A_202 = arith.constant 0 : i32
    %dma_start3A_203 = arith.constant 0 : i32
    %dma_start3A_204 = tpu.memref_slice %arg9[%dma_start3A_200, %dma_start3A_202, %dma_start3A_203] : memref<6x80x64xf32, #tpu.memory_space<vmem>> -> memref<1x80x64xf32, #tpu.memory_space<vmem>>
    %dma_start3A_205 = tpu.memref_squeeze %dma_start3A_204 : memref<1x80x64xf32, #tpu.memory_space<vmem>> -> memref<80x64xf32, #tpu.memory_space<vmem>>
    %dma_start3A_206 = arith.constant 0 : i32
    %dma_start3A_207 = tpu.memref_slice %arg8[%dma_start3A_201, %dma_start3A_206] : memref<250x80xi32, #tpu.memory_space<vmem>> -> memref<1x80xi32, #tpu.memory_space<vmem>>
    %dma_start3A_208 = tpu.memref_squeeze %dma_start3A_207 : memref<1x80xi32, #tpu.memory_space<vmem>> -> memref<80xi32, #tpu.memory_space<vmem>>
    %dma_start3A_209 = arith.constant 0 : i32
    %dma_start3A_210 = arith.constant 0 : i32
    %dma_start3A_211 = tpu.memref_slice %arg13[%dma_start3A_209, %dma_start3A_210] : memref<10240x64xf32, #tpu.memory_space<vmem_shared>> -> memref<10240x64xf32, #tpu.memory_space<vmem_shared>>
    tpu.enqueue_indirect_dma source(%dma_start3A_205 : memref<80x64xf32, #tpu.memory_space<vmem>>) target(%dma_start3A_211 : memref<10240x64xf32, #tpu.memory_space<vmem_shared>>) offsets(%dma_start3A_208 : memref<80xi32, #tpu.memory_space<vmem>>) semaphore(%arg23 : memref<!tpu.dma_semaphore, #tpu.memory_space<semaphore_mem>>) {add = true}
    %le3A_212 = arith.constant 248 : i32
    %le3A_213 = arith.cmpi sle, %mul3A_118, %le3A_212 : i32
    %add3A_214 = arith.constant 125 : i32
    %add3A_215 = arith.addi %mul3A_118, %add3A_214 : i32
    %gt3A_216 = arith.constant 248 : i32
    %gt3A_217 = arith.cmpi sgt, %add3A_215, %gt3A_216 : i32
    %and3A_218 = arith.andi %le3A_213, %gt3A_217 : i1
    %convert_element_type3A_219 = arith.extui %and3A_218 : i1 to i32
    %cond3A_220 = arith.constant 0 : i32
    %cond3A_221 = arith.cmpi ne, %convert_element_type3A_219, %cond3A_220 : i32
    scf.if %cond3A_221 {
      %dma_start3A_346 = arith.constant 248 : i32
      %dma_start3A_347 = arith.constant 0 : i32
      %dma_start3A_348 = tpu.memref_slice %arg8[%dma_start3A_346, %dma_start3A_347] : memref<250x80xi32, #tpu.memory_space<vmem>> -> memref<1x80xi32, #tpu.memory_space<vmem>>
      %dma_start3A_349 = tpu.memref_squeeze %dma_start3A_348 : memref<1x80xi32, #tpu.memory_space<vmem>> -> memref<80xi32, #tpu.memory_space<vmem>>
      %dma_start3A_350 = arith.constant 0 : i32
      %dma_start3A_351 = arith.constant 0 : i32
      %dma_start3A_352 = tpu.memref_slice %arg14[%dma_start3A_350, %dma_start3A_351] : memref<10240x8xf32, #tpu.memory_space<vmem_shared>> -> memref<10240x8xf32, #tpu.memory_space<vmem_shared>>
      tpu.enqueue_indirect_dma source(%arg10 : memref<80x8xf32, #tpu.memory_space<vmem>>) target(%dma_start3A_352 : memref<10240x8xf32, #tpu.memory_space<vmem_shared>>) offsets(%dma_start3A_349 : memref<80xi32, #tpu.memory_space<vmem>>) semaphore(%arg27 : memref<!tpu.dma_semaphore, #tpu.memory_space<semaphore_mem>>) {add = true}
    } else {
    }
    %dma_wait3A_222 = arith.constant 249 : i32
    %dma_wait3A_223 = arith.constant 3 : i32
    %dma_wait3A_224 = arith.constant 0 : i32
    %dma_wait3A_225 = arith.constant 0 : i32
    %dma_wait3A_226 = tpu.memref_slice %arg9[%dma_wait3A_223, %dma_wait3A_224, %dma_wait3A_225] : memref<6x80x64xf32, #tpu.memory_space<vmem>> -> memref<1x80x64xf32, #tpu.memory_space<vmem>>
    %dma_wait3A_227 = tpu.memref_squeeze %dma_wait3A_226 : memref<1x80x64xf32, #tpu.memory_space<vmem>> -> memref<80x64xf32, #tpu.memory_space<vmem>>
    %dma_wait3A_228 = arith.constant 0 : i32
    %dma_wait3A_229 = tpu.memref_slice %arg7[%dma_wait3A_222, %dma_wait3A_228] : memref<250x80xi32, #tpu.memory_space<vmem>> -> memref<1x80xi32, #tpu.memory_space<vmem>>
    %dma_wait3A_230 = tpu.memref_squeeze %dma_wait3A_229 : memref<1x80xi32, #tpu.memory_space<vmem>> -> memref<80xi32, #tpu.memory_space<vmem>>
    %dma_wait3A_231 = arith.constant 0 : i32
    %dma_wait3A_232 = arith.constant 0 : i32
    %dma_wait3A_233 = tpu.memref_slice %arg2[%dma_wait3A_231, %dma_wait3A_232] : memref<20000x64xf32, #tpu.memory_space<hbm>> -> memref<20000x64xf32, #tpu.memory_space<hbm>>
    tpu.wait_indirect_dma semaphore(%arg18 : memref<!tpu.dma_semaphore, #tpu.memory_space<semaphore_mem>>) src(%dma_wait3A_233 : memref<20000x64xf32, #tpu.memory_space<hbm>>) dst(%dma_wait3A_227 : memref<80x64xf32, #tpu.memory_space<vmem>>)
    %dma_start3A_234 = arith.constant 3 : i32
    %dma_start3A_235 = arith.constant 249 : i32
    %dma_start3A_236 = arith.constant 0 : i32
    %dma_start3A_237 = arith.constant 0 : i32
    %dma_start3A_238 = tpu.memref_slice %arg9[%dma_start3A_234, %dma_start3A_236, %dma_start3A_237] : memref<6x80x64xf32, #tpu.memory_space<vmem>> -> memref<1x80x64xf32, #tpu.memory_space<vmem>>
    %dma_start3A_239 = tpu.memref_squeeze %dma_start3A_238 : memref<1x80x64xf32, #tpu.memory_space<vmem>> -> memref<80x64xf32, #tpu.memory_space<vmem>>
    %dma_start3A_240 = arith.constant 0 : i32
    %dma_start3A_241 = tpu.memref_slice %arg8[%dma_start3A_235, %dma_start3A_240] : memref<250x80xi32, #tpu.memory_space<vmem>> -> memref<1x80xi32, #tpu.memory_space<vmem>>
    %dma_start3A_242 = tpu.memref_squeeze %dma_start3A_241 : memref<1x80xi32, #tpu.memory_space<vmem>> -> memref<80xi32, #tpu.memory_space<vmem>>
    %dma_start3A_243 = arith.constant 0 : i32
    %dma_start3A_244 = arith.constant 0 : i32
    %dma_start3A_245 = tpu.memref_slice %arg13[%dma_start3A_243, %dma_start3A_244] : memref<10240x64xf32, #tpu.memory_space<vmem_shared>> -> memref<10240x64xf32, #tpu.memory_space<vmem_shared>>
    tpu.enqueue_indirect_dma source(%dma_start3A_239 : memref<80x64xf32, #tpu.memory_space<vmem>>) target(%dma_start3A_245 : memref<10240x64xf32, #tpu.memory_space<vmem_shared>>) offsets(%dma_start3A_242 : memref<80xi32, #tpu.memory_space<vmem>>) semaphore(%arg24 : memref<!tpu.dma_semaphore, #tpu.memory_space<semaphore_mem>>) {add = true}
    %le3A_246 = arith.constant 249 : i32
    %le3A_247 = arith.cmpi sle, %mul3A_118, %le3A_246 : i32
    %add3A_248 = arith.constant 125 : i32
    %add3A_249 = arith.addi %mul3A_118, %add3A_248 : i32
    %gt3A_250 = arith.constant 249 : i32
    %gt3A_251 = arith.cmpi sgt, %add3A_249, %gt3A_250 : i32
    %and3A_252 = arith.andi %le3A_247, %gt3A_251 : i1
    %convert_element_type3A_253 = arith.extui %and3A_252 : i1 to i32
    %cond3A_254 = arith.constant 0 : i32
    %cond3A_255 = arith.cmpi ne, %convert_element_type3A_253, %cond3A_254 : i32
    scf.if %cond3A_255 {
      %dma_start3A_346 = arith.constant 249 : i32
      %dma_start3A_347 = arith.constant 0 : i32
      %dma_start3A_348 = tpu.memref_slice %arg8[%dma_start3A_346, %dma_start3A_347] : memref<250x80xi32, #tpu.memory_space<vmem>> -> memref<1x80xi32, #tpu.memory_space<vmem>>
      %dma_start3A_349 = tpu.memref_squeeze %dma_start3A_348 : memref<1x80xi32, #tpu.memory_space<vmem>> -> memref<80xi32, #tpu.memory_space<vmem>>
      %dma_start3A_350 = arith.constant 0 : i32
      %dma_start3A_351 = arith.constant 0 : i32
      %dma_start3A_352 = tpu.memref_slice %arg14[%dma_start3A_350, %dma_start3A_351] : memref<10240x8xf32, #tpu.memory_space<vmem_shared>> -> memref<10240x8xf32, #tpu.memory_space<vmem_shared>>
      tpu.enqueue_indirect_dma source(%arg10 : memref<80x8xf32, #tpu.memory_space<vmem>>) target(%dma_start3A_352 : memref<10240x8xf32, #tpu.memory_space<vmem_shared>>) offsets(%dma_start3A_349 : memref<80xi32, #tpu.memory_space<vmem>>) semaphore(%arg27 : memref<!tpu.dma_semaphore, #tpu.memory_space<semaphore_mem>>) {add = true}
    } else {
    }
    %dma_wait3A_256 = arith.constant 0 : i32
    %dma_wait3A_257 = arith.constant 0 : i32
    %dma_wait3A_258 = arith.constant 0 : i32
    %dma_wait3A_259 = arith.constant 0 : i32
    %dma_wait3A_260 = tpu.memref_slice %arg9[%dma_wait3A_256, %dma_wait3A_258, %dma_wait3A_259] : memref<6x80x64xf32, #tpu.memory_space<vmem>> -> memref<1x80x64xf32, #tpu.memory_space<vmem>>
    %dma_wait3A_261 = tpu.memref_squeeze %dma_wait3A_260 : memref<1x80x64xf32, #tpu.memory_space<vmem>> -> memref<80x64xf32, #tpu.memory_space<vmem>>
    %dma_wait3A_262 = arith.constant 0 : i32
    %dma_wait3A_263 = tpu.memref_slice %arg8[%dma_wait3A_257, %dma_wait3A_262] : memref<250x80xi32, #tpu.memory_space<vmem>> -> memref<1x80xi32, #tpu.memory_space<vmem>>
    %dma_wait3A_264 = tpu.memref_squeeze %dma_wait3A_263 : memref<1x80xi32, #tpu.memory_space<vmem>> -> memref<80xi32, #tpu.memory_space<vmem>>
    %dma_wait3A_265 = arith.constant 0 : i32
    %dma_wait3A_266 = arith.constant 0 : i32
    %dma_wait3A_267 = tpu.memref_slice %arg13[%dma_wait3A_265, %dma_wait3A_266] : memref<10240x64xf32, #tpu.memory_space<vmem_shared>> -> memref<10240x64xf32, #tpu.memory_space<vmem_shared>>
    tpu.wait_indirect_dma semaphore(%arg21 : memref<!tpu.dma_semaphore, #tpu.memory_space<semaphore_mem>>) src(%dma_wait3A_261 : memref<80x64xf32, #tpu.memory_space<vmem>>) dst(%dma_wait3A_267 : memref<10240x64xf32, #tpu.memory_space<vmem_shared>>)
    %dma_wait3A_268 = arith.constant 1 : i32
    %dma_wait3A_269 = arith.constant 0 : i32
    %dma_wait3A_270 = arith.constant 0 : i32
    %dma_wait3A_271 = arith.constant 0 : i32
    %dma_wait3A_272 = tpu.memref_slice %arg9[%dma_wait3A_268, %dma_wait3A_270, %dma_wait3A_271] : memref<6x80x64xf32, #tpu.memory_space<vmem>> -> memref<1x80x64xf32, #tpu.memory_space<vmem>>
    %dma_wait3A_273 = tpu.memref_squeeze %dma_wait3A_272 : memref<1x80x64xf32, #tpu.memory_space<vmem>> -> memref<80x64xf32, #tpu.memory_space<vmem>>
    %dma_wait3A_274 = arith.constant 0 : i32
    %dma_wait3A_275 = tpu.memref_slice %arg8[%dma_wait3A_269, %dma_wait3A_274] : memref<250x80xi32, #tpu.memory_space<vmem>> -> memref<1x80xi32, #tpu.memory_space<vmem>>
    %dma_wait3A_276 = tpu.memref_squeeze %dma_wait3A_275 : memref<1x80xi32, #tpu.memory_space<vmem>> -> memref<80xi32, #tpu.memory_space<vmem>>
    %dma_wait3A_277 = arith.constant 0 : i32
    %dma_wait3A_278 = arith.constant 0 : i32
    %dma_wait3A_279 = tpu.memref_slice %arg13[%dma_wait3A_277, %dma_wait3A_278] : memref<10240x64xf32, #tpu.memory_space<vmem_shared>> -> memref<10240x64xf32, #tpu.memory_space<vmem_shared>>
    tpu.wait_indirect_dma semaphore(%arg22 : memref<!tpu.dma_semaphore, #tpu.memory_space<semaphore_mem>>) src(%dma_wait3A_273 : memref<80x64xf32, #tpu.memory_space<vmem>>) dst(%dma_wait3A_279 : memref<10240x64xf32, #tpu.memory_space<vmem_shared>>)
    %dma_wait3A_280 = arith.constant 2 : i32
    %dma_wait3A_281 = arith.constant 0 : i32
    %dma_wait3A_282 = arith.constant 0 : i32
    %dma_wait3A_283 = arith.constant 0 : i32
    %dma_wait3A_284 = tpu.memref_slice %arg9[%dma_wait3A_280, %dma_wait3A_282, %dma_wait3A_283] : memref<6x80x64xf32, #tpu.memory_space<vmem>> -> memref<1x80x64xf32, #tpu.memory_space<vmem>>
    %dma_wait3A_285 = tpu.memref_squeeze %dma_wait3A_284 : memref<1x80x64xf32, #tpu.memory_space<vmem>> -> memref<80x64xf32, #tpu.memory_space<vmem>>
    %dma_wait3A_286 = arith.constant 0 : i32
    %dma_wait3A_287 = tpu.memref_slice %arg8[%dma_wait3A_281, %dma_wait3A_286] : memref<250x80xi32, #tpu.memory_space<vmem>> -> memref<1x80xi32, #tpu.memory_space<vmem>>
    %dma_wait3A_288 = tpu.memref_squeeze %dma_wait3A_287 : memref<1x80xi32, #tpu.memory_space<vmem>> -> memref<80xi32, #tpu.memory_space<vmem>>
    %dma_wait3A_289 = arith.constant 0 : i32
    %dma_wait3A_290 = arith.constant 0 : i32
    %dma_wait3A_291 = tpu.memref_slice %arg13[%dma_wait3A_289, %dma_wait3A_290] : memref<10240x64xf32, #tpu.memory_space<vmem_shared>> -> memref<10240x64xf32, #tpu.memory_space<vmem_shared>>
    tpu.wait_indirect_dma semaphore(%arg23 : memref<!tpu.dma_semaphore, #tpu.memory_space<semaphore_mem>>) src(%dma_wait3A_285 : memref<80x64xf32, #tpu.memory_space<vmem>>) dst(%dma_wait3A_291 : memref<10240x64xf32, #tpu.memory_space<vmem_shared>>)
    %dma_wait3A_292 = arith.constant 3 : i32
    %dma_wait3A_293 = arith.constant 0 : i32
    %dma_wait3A_294 = arith.constant 0 : i32
    %dma_wait3A_295 = arith.constant 0 : i32
    %dma_wait3A_296 = tpu.memref_slice %arg9[%dma_wait3A_292, %dma_wait3A_294, %dma_wait3A_295] : memref<6x80x64xf32, #tpu.memory_space<vmem>> -> memref<1x80x64xf32, #tpu.memory_space<vmem>>
    %dma_wait3A_297 = tpu.memref_squeeze %dma_wait3A_296 : memref<1x80x64xf32, #tpu.memory_space<vmem>> -> memref<80x64xf32, #tpu.memory_space<vmem>>
    %dma_wait3A_298 = arith.constant 0 : i32
    %dma_wait3A_299 = tpu.memref_slice %arg8[%dma_wait3A_293, %dma_wait3A_298] : memref<250x80xi32, #tpu.memory_space<vmem>> -> memref<1x80xi32, #tpu.memory_space<vmem>>
    %dma_wait3A_300 = tpu.memref_squeeze %dma_wait3A_299 : memref<1x80xi32, #tpu.memory_space<vmem>> -> memref<80xi32, #tpu.memory_space<vmem>>
    %dma_wait3A_301 = arith.constant 0 : i32
    %dma_wait3A_302 = arith.constant 0 : i32
    %dma_wait3A_303 = tpu.memref_slice %arg13[%dma_wait3A_301, %dma_wait3A_302] : memref<10240x64xf32, #tpu.memory_space<vmem_shared>> -> memref<10240x64xf32, #tpu.memory_space<vmem_shared>>
    tpu.wait_indirect_dma semaphore(%arg24 : memref<!tpu.dma_semaphore, #tpu.memory_space<semaphore_mem>>) src(%dma_wait3A_297 : memref<80x64xf32, #tpu.memory_space<vmem>>) dst(%dma_wait3A_303 : memref<10240x64xf32, #tpu.memory_space<vmem_shared>>)
    %dma_wait3A_304 = arith.constant 4 : i32
    %dma_wait3A_305 = arith.constant 0 : i32
    %dma_wait3A_306 = arith.constant 0 : i32
    %dma_wait3A_307 = arith.constant 0 : i32
    %dma_wait3A_308 = tpu.memref_slice %arg9[%dma_wait3A_304, %dma_wait3A_306, %dma_wait3A_307] : memref<6x80x64xf32, #tpu.memory_space<vmem>> -> memref<1x80x64xf32, #tpu.memory_space<vmem>>
    %dma_wait3A_309 = tpu.memref_squeeze %dma_wait3A_308 : memref<1x80x64xf32, #tpu.memory_space<vmem>> -> memref<80x64xf32, #tpu.memory_space<vmem>>
    %dma_wait3A_310 = arith.constant 0 : i32
    %dma_wait3A_311 = tpu.memref_slice %arg8[%dma_wait3A_305, %dma_wait3A_310] : memref<250x80xi32, #tpu.memory_space<vmem>> -> memref<1x80xi32, #tpu.memory_space<vmem>>
    %dma_wait3A_312 = tpu.memref_squeeze %dma_wait3A_311 : memref<1x80xi32, #tpu.memory_space<vmem>> -> memref<80xi32, #tpu.memory_space<vmem>>
    %dma_wait3A_313 = arith.constant 0 : i32
    %dma_wait3A_314 = arith.constant 0 : i32
    %dma_wait3A_315 = tpu.memref_slice %arg13[%dma_wait3A_313, %dma_wait3A_314] : memref<10240x64xf32, #tpu.memory_space<vmem_shared>> -> memref<10240x64xf32, #tpu.memory_space<vmem_shared>>
    tpu.wait_indirect_dma semaphore(%arg25 : memref<!tpu.dma_semaphore, #tpu.memory_space<semaphore_mem>>) src(%dma_wait3A_309 : memref<80x64xf32, #tpu.memory_space<vmem>>) dst(%dma_wait3A_315 : memref<10240x64xf32, #tpu.memory_space<vmem_shared>>)
    %dma_wait3A_316 = arith.constant 5 : i32
    %dma_wait3A_317 = arith.constant 0 : i32
    %dma_wait3A_318 = arith.constant 0 : i32
    %dma_wait3A_319 = arith.constant 0 : i32
    %dma_wait3A_320 = tpu.memref_slice %arg9[%dma_wait3A_316, %dma_wait3A_318, %dma_wait3A_319] : memref<6x80x64xf32, #tpu.memory_space<vmem>> -> memref<1x80x64xf32, #tpu.memory_space<vmem>>
    %dma_wait3A_321 = tpu.memref_squeeze %dma_wait3A_320 : memref<1x80x64xf32, #tpu.memory_space<vmem>> -> memref<80x64xf32, #tpu.memory_space<vmem>>
    %dma_wait3A_322 = arith.constant 0 : i32
    %dma_wait3A_323 = tpu.memref_slice %arg8[%dma_wait3A_317, %dma_wait3A_322] : memref<250x80xi32, #tpu.memory_space<vmem>> -> memref<1x80xi32, #tpu.memory_space<vmem>>
    %dma_wait3A_324 = tpu.memref_squeeze %dma_wait3A_323 : memref<1x80xi32, #tpu.memory_space<vmem>> -> memref<80xi32, #tpu.memory_space<vmem>>
    %dma_wait3A_325 = arith.constant 0 : i32
    %dma_wait3A_326 = arith.constant 0 : i32
    %dma_wait3A_327 = tpu.memref_slice %arg13[%dma_wait3A_325, %dma_wait3A_326] : memref<10240x64xf32, #tpu.memory_space<vmem_shared>> -> memref<10240x64xf32, #tpu.memory_space<vmem_shared>>
    tpu.wait_indirect_dma semaphore(%arg26 : memref<!tpu.dma_semaphore, #tpu.memory_space<semaphore_mem>>) src(%dma_wait3A_321 : memref<80x64xf32, #tpu.memory_space<vmem>>) dst(%dma_wait3A_327 : memref<10240x64xf32, #tpu.memory_space<vmem_shared>>)
    %scan3A_328 = arith.constant 0 : i32
    %scan3A_329 = arith.constant 0 : i32
    %scan3A_330 = arith.constant 125 : i32
    %scan3A_331 = arith.addi %scan3A_329, %scan3A_330 : i32
    %scan3A_332 = arith.constant 1 : i32
    %scan3A_333 = scf.for %scan3A_346 = %scan3A_329 to %scan3A_331 step %scan3A_332 iter_args(%scan3A_347 = %scan3A_328) -> (i32)  : i32 {
      %dma_wait3A_348 = arith.constant 0 : i32
      %dma_wait3A_349 = arith.constant 0 : i32
      %dma_wait3A_350 = tpu.memref_slice %arg8[%dma_wait3A_348, %dma_wait3A_349] : memref<250x80xi32, #tpu.memory_space<vmem>> -> memref<1x80xi32, #tpu.memory_space<vmem>>
      %dma_wait3A_351 = tpu.memref_squeeze %dma_wait3A_350 : memref<1x80xi32, #tpu.memory_space<vmem>> -> memref<80xi32, #tpu.memory_space<vmem>>
      %dma_wait3A_352 = arith.constant 0 : i32
      %dma_wait3A_353 = arith.constant 0 : i32
      %dma_wait3A_354 = tpu.memref_slice %arg14[%dma_wait3A_352, %dma_wait3A_353] : memref<10240x8xf32, #tpu.memory_space<vmem_shared>> -> memref<10240x8xf32, #tpu.memory_space<vmem_shared>>
      tpu.wait_indirect_dma semaphore(%arg27 : memref<!tpu.dma_semaphore, #tpu.memory_space<semaphore_mem>>) src(%arg10 : memref<80x8xf32, #tpu.memory_space<vmem>>) dst(%dma_wait3A_354 : memref<10240x8xf32, #tpu.memory_space<vmem_shared>>)
      %scan3A_355 = arith.constant 0 : i32
      scf.yield %scan3A_355 : i32
    }
    %scan3A_334 = arith.constant 125 : i32
    %barrier3A_335 = arith.constant 0 : index
    tpu.barrier barrier_id(%barrier3A_335)
    %add3A_336 = arith.constant 0 : i32
    %add3A_337 = arith.addi %mul3A_107, %add3A_336 : i32
    "tpu.region"() ({
      %run_scoped3A = tpu.sem_alloc : memref<!tpu.dma_semaphore, #tpu.memory_space<semaphore_mem>>
      %dma_start3A_346 = arith.constant 0 : i32
      %dma_start3A_347 = tpu.memref_slice %arg5[%arg0, %add3A_337, %dma_start3A_346] : memref<2x10240x64xf32, #tpu.memory_space<hbm>> -> memref<1x128x64xf32, #tpu.memory_space<hbm>>
      %dma_start3A_348 = tpu.memref_squeeze %dma_start3A_347 : memref<1x128x64xf32, #tpu.memory_space<hbm>> -> memref<128x64xf32, #tpu.memory_space<hbm>>
      %dma_start3A_349 = arith.constant 0 : i32
      %dma_start3A_350 = tpu.memref_slice %arg13[%add3A_337, %dma_start3A_349] : memref<10240x64xf32, #tpu.memory_space<vmem_shared>> -> memref<128x64xf32, #tpu.memory_space<vmem_shared>>
      tpu.enqueue_dma source(%dma_start3A_350 : memref<128x64xf32, #tpu.memory_space<vmem_shared>>) target(%dma_start3A_348 : memref<128x64xf32, #tpu.memory_space<hbm>>) target_semaphore(%run_scoped3A : memref<!tpu.dma_semaphore, #tpu.memory_space<semaphore_mem>>)
      %dma_wait3A_351 = arith.constant 0 : i32
      %dma_wait3A_352 = tpu.memref_slice %arg5[%arg0, %add3A_337, %dma_wait3A_351] : memref<2x10240x64xf32, #tpu.memory_space<hbm>> -> memref<1x128x64xf32, #tpu.memory_space<hbm>>
      %dma_wait3A_353 = tpu.memref_squeeze %dma_wait3A_352 : memref<1x128x64xf32, #tpu.memory_space<hbm>> -> memref<128x64xf32, #tpu.memory_space<hbm>>
      %dma_wait3A_354 = arith.constant 0 : i32
      %dma_wait3A_355 = tpu.memref_slice %arg13[%add3A_337, %dma_wait3A_354] : memref<10240x64xf32, #tpu.memory_space<vmem_shared>> -> memref<128x64xf32, #tpu.memory_space<vmem_shared>>
      tpu.wait_dma2 semaphore(%run_scoped3A : memref<!tpu.dma_semaphore, #tpu.memory_space<semaphore_mem>>) src(%dma_wait3A_355 : memref<128x64xf32, #tpu.memory_space<vmem_shared>>) dst(%dma_wait3A_353 : memref<128x64xf32, #tpu.memory_space<hbm>>)
      tpu.yield
    }) : () -> ()
    %add3A_338 = arith.constant 128 : i32
    %add3A_339 = arith.addi %mul3A_107, %add3A_338 : i32
    "tpu.region"() ({
      %run_scoped3A = tpu.sem_alloc : memref<!tpu.dma_semaphore, #tpu.memory_space<semaphore_mem>>
      %dma_start3A_346 = arith.constant 0 : i32
      %dma_start3A_347 = tpu.memref_slice %arg5[%arg0, %add3A_339, %dma_start3A_346] : memref<2x10240x64xf32, #tpu.memory_space<hbm>> -> memref<1x128x64xf32, #tpu.memory_space<hbm>>
      %dma_start3A_348 = tpu.memref_squeeze %dma_start3A_347 : memref<1x128x64xf32, #tpu.memory_space<hbm>> -> memref<128x64xf32, #tpu.memory_space<hbm>>
      %dma_start3A_349 = arith.constant 0 : i32
      %dma_start3A_350 = tpu.memref_slice %arg13[%add3A_339, %dma_start3A_349] : memref<10240x64xf32, #tpu.memory_space<vmem_shared>> -> memref<128x64xf32, #tpu.memory_space<vmem_shared>>
      tpu.enqueue_dma source(%dma_start3A_350 : memref<128x64xf32, #tpu.memory_space<vmem_shared>>) target(%dma_start3A_348 : memref<128x64xf32, #tpu.memory_space<hbm>>) target_semaphore(%run_scoped3A : memref<!tpu.dma_semaphore, #tpu.memory_space<semaphore_mem>>)
      %dma_wait3A_351 = arith.constant 0 : i32
      %dma_wait3A_352 = tpu.memref_slice %arg5[%arg0, %add3A_339, %dma_wait3A_351] : memref<2x10240x64xf32, #tpu.memory_space<hbm>> -> memref<1x128x64xf32, #tpu.memory_space<hbm>>
      %dma_wait3A_353 = tpu.memref_squeeze %dma_wait3A_352 : memref<1x128x64xf32, #tpu.memory_space<hbm>> -> memref<128x64xf32, #tpu.memory_space<hbm>>
      %dma_wait3A_354 = arith.constant 0 : i32
      %dma_wait3A_355 = tpu.memref_slice %arg13[%add3A_339, %dma_wait3A_354] : memref<10240x64xf32, #tpu.memory_space<vmem_shared>> -> memref<128x64xf32, #tpu.memory_space<vmem_shared>>
      tpu.wait_dma2 semaphore(%run_scoped3A : memref<!tpu.dma_semaphore, #tpu.memory_space<semaphore_mem>>) src(%dma_wait3A_355 : memref<128x64xf32, #tpu.memory_space<vmem_shared>>) dst(%dma_wait3A_353 : memref<128x64xf32, #tpu.memory_space<hbm>>)
      tpu.yield
    }) : () -> ()
    %add3A_340 = arith.constant 256 : i32
    %add3A_341 = arith.addi %mul3A_107, %add3A_340 : i32
    "tpu.region"() ({
      %run_scoped3A = tpu.sem_alloc : memref<!tpu.dma_semaphore, #tpu.memory_space<semaphore_mem>>
      %dma_start3A_346 = arith.constant 0 : i32
      %dma_start3A_347 = tpu.memref_slice %arg5[%arg0, %add3A_341, %dma_start3A_346] : memref<2x10240x64xf32, #tpu.memory_space<hbm>> -> memref<1x128x64xf32, #tpu.memory_space<hbm>>
      %dma_start3A_348 = tpu.memref_squeeze %dma_start3A_347 : memref<1x128x64xf32, #tpu.memory_space<hbm>> -> memref<128x64xf32, #tpu.memory_space<hbm>>
      %dma_start3A_349 = arith.constant 0 : i32
      %dma_start3A_350 = tpu.memref_slice %arg13[%add3A_341, %dma_start3A_349] : memref<10240x64xf32, #tpu.memory_space<vmem_shared>> -> memref<128x64xf32, #tpu.memory_space<vmem_shared>>
      tpu.enqueue_dma source(%dma_start3A_350 : memref<128x64xf32, #tpu.memory_space<vmem_shared>>) target(%dma_start3A_348 : memref<128x64xf32, #tpu.memory_space<hbm>>) target_semaphore(%run_scoped3A : memref<!tpu.dma_semaphore, #tpu.memory_space<semaphore_mem>>)
      %dma_wait3A_351 = arith.constant 0 : i32
      %dma_wait3A_352 = tpu.memref_slice %arg5[%arg0, %add3A_341, %dma_wait3A_351] : memref<2x10240x64xf32, #tpu.memory_space<hbm>> -> memref<1x128x64xf32, #tpu.memory_space<hbm>>
      %dma_wait3A_353 = tpu.memref_squeeze %dma_wait3A_352 : memref<1x128x64xf32, #tpu.memory_space<hbm>> -> memref<128x64xf32, #tpu.memory_space<hbm>>
      %dma_wait3A_354 = arith.constant 0 : i32
      %dma_wait3A_355 = tpu.memref_slice %arg13[%add3A_341, %dma_wait3A_354] : memref<10240x64xf32, #tpu.memory_space<vmem_shared>> -> memref<128x64xf32, #tpu.memory_space<vmem_shared>>
      tpu.wait_dma2 semaphore(%run_scoped3A : memref<!tpu.dma_semaphore, #tpu.memory_space<semaphore_mem>>) src(%dma_wait3A_355 : memref<128x64xf32, #tpu.memory_space<vmem_shared>>) dst(%dma_wait3A_353 : memref<128x64xf32, #tpu.memory_space<hbm>>)
      tpu.yield
    }) : () -> ()
    %add3A_342 = arith.constant 384 : i32
    %add3A_343 = arith.addi %mul3A_107, %add3A_342 : i32
    "tpu.region"() ({
      %run_scoped3A = tpu.sem_alloc : memref<!tpu.dma_semaphore, #tpu.memory_space<semaphore_mem>>
      %dma_start3A_346 = arith.constant 0 : i32
      %dma_start3A_347 = tpu.memref_slice %arg5[%arg0, %add3A_343, %dma_start3A_346] : memref<2x10240x64xf32, #tpu.memory_space<hbm>> -> memref<1x128x64xf32, #tpu.memory_space<hbm>>
      %dma_start3A_348 = tpu.memref_squeeze %dma_start3A_347 : memref<1x128x64xf32, #tpu.memory_space<hbm>> -> memref<128x64xf32, #tpu.memory_space<hbm>>
      %dma_start3A_349 = arith.constant 0 : i32
      %dma_start3A_350 = tpu.memref_slice %arg13[%add3A_343, %dma_start3A_349] : memref<10240x64xf32, #tpu.memory_space<vmem_shared>> -> memref<128x64xf32, #tpu.memory_space<vmem_shared>>
      tpu.enqueue_dma source(%dma_start3A_350 : memref<128x64xf32, #tpu.memory_space<vmem_shared>>) target(%dma_start3A_348 : memref<128x64xf32, #tpu.memory_space<hbm>>) target_semaphore(%run_scoped3A : memref<!tpu.dma_semaphore, #tpu.memory_space<semaphore_mem>>)
      %dma_wait3A_351 = arith.constant 0 : i32
      %dma_wait3A_352 = tpu.memref_slice %arg5[%arg0, %add3A_343, %dma_wait3A_351] : memref<2x10240x64xf32, #tpu.memory_space<hbm>> -> memref<1x128x64xf32, #tpu.memory_space<hbm>>
      %dma_wait3A_353 = tpu.memref_squeeze %dma_wait3A_352 : memref<1x128x64xf32, #tpu.memory_space<hbm>> -> memref<128x64xf32, #tpu.memory_space<hbm>>
      %dma_wait3A_354 = arith.constant 0 : i32
      %dma_wait3A_355 = tpu.memref_slice %arg13[%add3A_343, %dma_wait3A_354] : memref<10240x64xf32, #tpu.memory_space<vmem_shared>> -> memref<128x64xf32, #tpu.memory_space<vmem_shared>>
      tpu.wait_dma2 semaphore(%run_scoped3A : memref<!tpu.dma_semaphore, #tpu.memory_space<semaphore_mem>>) src(%dma_wait3A_355 : memref<128x64xf32, #tpu.memory_space<vmem_shared>>) dst(%dma_wait3A_353 : memref<128x64xf32, #tpu.memory_space<hbm>>)
      tpu.yield
    }) : () -> ()
    %add3A_344 = arith.constant 512 : i32
    %add3A_345 = arith.addi %mul3A_107, %add3A_344 : i32
    "tpu.region"() ({
      %run_scoped3A = tpu.sem_alloc : memref<!tpu.dma_semaphore, #tpu.memory_space<semaphore_mem>>
      %dma_start3A_346 = arith.constant 0 : i32
      %dma_start3A_347 = tpu.memref_slice %arg5[%arg0, %add3A_345, %dma_start3A_346] : memref<2x10240x64xf32, #tpu.memory_space<hbm>> -> memref<1x128x64xf32, #tpu.memory_space<hbm>>
      %dma_start3A_348 = tpu.memref_squeeze %dma_start3A_347 : memref<1x128x64xf32, #tpu.memory_space<hbm>> -> memref<128x64xf32, #tpu.memory_space<hbm>>
      %dma_start3A_349 = arith.constant 0 : i32
      %dma_start3A_350 = tpu.memref_slice %arg13[%add3A_345, %dma_start3A_349] : memref<10240x64xf32, #tpu.memory_space<vmem_shared>> -> memref<128x64xf32, #tpu.memory_space<vmem_shared>>
      tpu.enqueue_dma source(%dma_start3A_350 : memref<128x64xf32, #tpu.memory_space<vmem_shared>>) target(%dma_start3A_348 : memref<128x64xf32, #tpu.memory_space<hbm>>) target_semaphore(%run_scoped3A : memref<!tpu.dma_semaphore, #tpu.memory_space<semaphore_mem>>)
      %dma_wait3A_351 = arith.constant 0 : i32
      %dma_wait3A_352 = tpu.memref_slice %arg5[%arg0, %add3A_345, %dma_wait3A_351] : memref<2x10240x64xf32, #tpu.memory_space<hbm>> -> memref<1x128x64xf32, #tpu.memory_space<hbm>>
      %dma_wait3A_353 = tpu.memref_squeeze %dma_wait3A_352 : memref<1x128x64xf32, #tpu.memory_space<hbm>> -> memref<128x64xf32, #tpu.memory_space<hbm>>
      %dma_wait3A_354 = arith.constant 0 : i32
      %dma_wait3A_355 = tpu.memref_slice %arg13[%add3A_345, %dma_wait3A_354] : memref<10240x64xf32, #tpu.memory_space<vmem_shared>> -> memref<128x64xf32, #tpu.memory_space<vmem_shared>>
      tpu.wait_dma2 semaphore(%run_scoped3A : memref<!tpu.dma_semaphore, #tpu.memory_space<semaphore_mem>>) src(%dma_wait3A_355 : memref<128x64xf32, #tpu.memory_space<vmem_shared>>) dst(%dma_wait3A_353 : memref<128x64xf32, #tpu.memory_space<hbm>>)
      tpu.yield
    }) : () -> ()
    "tpu.region"() ({
      %run_scoped3A = tpu.sem_alloc : memref<!tpu.dma_semaphore, #tpu.memory_space<semaphore_mem>>
      %dma_start3A_346 = arith.constant 0 : i32
      %dma_start3A_347 = tpu.memref_slice %arg6[%arg0, %mul3A_107, %dma_start3A_346] : memref<2x10240x8xf32, #tpu.memory_space<hbm>> -> memref<1x640x8xf32, #tpu.memory_space<hbm>>
      %dma_start3A_348 = tpu.memref_squeeze %dma_start3A_347 : memref<1x640x8xf32, #tpu.memory_space<hbm>> -> memref<640x8xf32, #tpu.memory_space<hbm>>
      %dma_start3A_349 = arith.constant 0 : i32
      %dma_start3A_350 = tpu.memref_slice %arg14[%mul3A_107, %dma_start3A_349] : memref<10240x8xf32, #tpu.memory_space<vmem_shared>> -> memref<640x8xf32, #tpu.memory_space<vmem_shared>>
      tpu.enqueue_dma source(%dma_start3A_350 : memref<640x8xf32, #tpu.memory_space<vmem_shared>>) target(%dma_start3A_348 : memref<640x8xf32, #tpu.memory_space<hbm>>) target_semaphore(%run_scoped3A : memref<!tpu.dma_semaphore, #tpu.memory_space<semaphore_mem>>)
      %dma_wait3A_351 = arith.constant 0 : i32
      %dma_wait3A_352 = tpu.memref_slice %arg6[%arg0, %mul3A_107, %dma_wait3A_351] : memref<2x10240x8xf32, #tpu.memory_space<hbm>> -> memref<1x640x8xf32, #tpu.memory_space<hbm>>
      %dma_wait3A_353 = tpu.memref_squeeze %dma_wait3A_352 : memref<1x640x8xf32, #tpu.memory_space<hbm>> -> memref<640x8xf32, #tpu.memory_space<hbm>>
      %dma_wait3A_354 = arith.constant 0 : i32
      %dma_wait3A_355 = tpu.memref_slice %arg14[%mul3A_107, %dma_wait3A_354] : memref<10240x8xf32, #tpu.memory_space<vmem_shared>> -> memref<640x8xf32, #tpu.memory_space<vmem_shared>>
      tpu.wait_dma2 semaphore(%run_scoped3A : memref<!tpu.dma_semaphore, #tpu.memory_space<semaphore_mem>>) src(%dma_wait3A_355 : memref<640x8xf32, #tpu.memory_space<vmem_shared>>) dst(%dma_wait3A_353 : memref<640x8xf32, #tpu.memory_space<hbm>>)
      tpu.yield
    }) : () -> ()
    return
  }
}

module attributes {stable_mosaic.version = 14 : i64} {
  func.func @_mlp1_body(%arg0: i32, %arg1: memref<5000x128xf32, #tpu.memory_space<vmem>>, %arg2: memref<128x128xf32, #tpu.memory_space<vmem>>, %arg3: memref<1x128xf32, #tpu.memory_space<vmem>>, %arg4: memref<128x128xf32, #tpu.memory_space<vmem>>, %arg5: memref<1x128xf32, #tpu.memory_space<vmem>>, %arg6: memref<2x5000x64xf32, #tpu.memory_space<vmem>>) attributes {dimension_semantics = [#tpu.dimension_semantics<arbitrary>], iteration_bounds = array<i64: 2>, scalar_prefetch = 0 : i64, scratch_operands = 0 : i64, tpu.core_type = #tpu.core_type<tc>, window_params = [{transform_indices = @transform_0, window_bounds = array<i64: 5000, 128>}, {pipeline_mode = #tpu.pipeline_mode<synchronous>, transform_indices = @transform_1, window_bounds = array<i64: 128, 128>}, {pipeline_mode = #tpu.pipeline_mode<synchronous>, transform_indices = @transform_2, window_bounds = array<i64: 1, 128>}, {pipeline_mode = #tpu.pipeline_mode<synchronous>, transform_indices = @transform_3, window_bounds = array<i64: 128, 128>}, {pipeline_mode = #tpu.pipeline_mode<synchronous>, transform_indices = @transform_4, window_bounds = array<i64: 1, 128>}, {transform_indices = @transform_5, window_bounds = array<i64: 2, 5000, 64>}]} {
    %get3A = arith.constant 0 : index
    %get3A_0 = arith.constant 0 : index
    %get3A_1 = vector.load %arg1[%get3A, %get3A_0] : memref<5000x128xf32, #tpu.memory_space<vmem>>, vector<5000x128xf32>
    %get3A_2 = arith.constant 0 : index
    %get3A_3 = arith.constant 0 : index
    %get3A_4 = vector.load %arg2[%get3A_2, %get3A_3] : memref<128x128xf32, #tpu.memory_space<vmem>>, vector<128x128xf32>
    %dot_general3A = arith.constant dense<0.000000e+00> : vector<5000x128xf32>
    %dot_general3A_5 = tpu.matmul %get3A_1, %get3A_4, %dot_general3A {dimension_numbers = #tpu.dot_dimension_numbers<[1], [0], [0], [1], [0, 0, 1, 1], [], []>, transpose_lhs_hint = false} : vector<5000x128xf32>, vector<128x128xf32>, vector<5000x128xf32> -> vector<5000x128xf32>
    %get3A_6 = arith.constant 0 : index
    %get3A_7 = arith.constant 0 : index
    %get3A_8 = vector.load %arg3[%get3A_6, %get3A_7] : memref<1x128xf32, #tpu.memory_space<vmem>>, vector<1x128xf32>
    %add3A = vector.broadcast %get3A_8 : vector<1x128xf32> to vector<5000x128xf32>
    %add3A_9 = arith.addf %dot_general3A_5, %add3A : vector<5000x128xf32>
    %max3A = arith.constant 0.000000e+00 : f32
    %max3A_10 = vector.broadcast %max3A : f32 to vector<5000x128xf32>
    %max3A_11 = arith.maximumf %add3A_9, %max3A_10 : vector<5000x128xf32>
    %get3A_12 = arith.constant 0 : index
    %get3A_13 = arith.constant 0 : index
    %get3A_14 = vector.load %arg4[%get3A_12, %get3A_13] : memref<128x128xf32, #tpu.memory_space<vmem>>, vector<128x128xf32>
    %dot_general3A_15 = arith.constant dense<0.000000e+00> : vector<5000x128xf32>
    %dot_general3A_16 = tpu.matmul %max3A_11, %get3A_14, %dot_general3A_15 {dimension_numbers = #tpu.dot_dimension_numbers<[1], [0], [0], [1], [0, 0, 1, 1], [], []>, transpose_lhs_hint = false} : vector<5000x128xf32>, vector<128x128xf32>, vector<5000x128xf32> -> vector<5000x128xf32>
    %get3A_17 = arith.constant 0 : index
    %get3A_18 = arith.constant 0 : index
    %get3A_19 = vector.load %arg5[%get3A_17, %get3A_18] : memref<1x128xf32, #tpu.memory_space<vmem>>, vector<1x128xf32>
    %add3A_20 = vector.broadcast %get3A_19 : vector<1x128xf32> to vector<5000x128xf32>
    %add3A_21 = arith.addf %dot_general3A_16, %add3A_20 : vector<5000x128xf32>
    %slice3A = vector.extract_strided_slice %add3A_21 {offsets = [0, 0], sizes = [5000, 64], strides = [1, 1]} : vector<5000x128xf32> to vector<5000x64xf32>
    %slice3A_22 = vector.extract_strided_slice %add3A_21 {offsets = [0, 64], sizes = [5000, 64], strides = [1, 1]} : vector<5000x128xf32> to vector<5000x64xf32>
    %stack3A = vector.shape_cast %slice3A : vector<5000x64xf32> to vector<1x5000x64xf32>
    %stack3A_23 = vector.shape_cast %slice3A_22 : vector<5000x64xf32> to vector<1x5000x64xf32>
    %stack3A_24 = tpu.concatenate %stack3A, %stack3A_23 in 0 : vector<1x5000x64xf32>, vector<1x5000x64xf32> -> vector<2x5000x64xf32>
    %swap3A = arith.constant 0 : index
    %swap3A_25 = arith.constant 0 : index
    %swap3A_26 = arith.constant 0 : index
    %swap3A_27 = vector.load %arg6[%swap3A, %swap3A_25, %swap3A_26] : memref<2x5000x64xf32, #tpu.memory_space<vmem>>, vector<2x5000x64xf32>
    tpu.vector_store %arg6[%swap3A, %swap3A_25, %swap3A_26], %stack3A_24 {strides = array<i32>} : memref<2x5000x64xf32, #tpu.memory_space<vmem>>, vector<2x5000x64xf32>,
    return
  }
  func.func @transform_0(%arg0: i32) -> (i32, i32) {
    %c0_i32 = arith.constant 0 : i32
    %c0_i32_0 = arith.constant 0 : i32
    return %arg0, %c0_i32 : i32, i32
  }
  func.func @transform_1(%arg0: i32) -> (i32, i32) {
    %c0_i32 = arith.constant 0 : i32
    %c0_i32_0 = arith.constant 0 : i32
    %c0_i32_1 = arith.constant 0 : i32
    return %c0_i32, %c0_i32_0 : i32, i32
  }
  func.func @transform_2(%arg0: i32) -> (i32, i32) {
    %c0_i32 = arith.constant 0 : i32
    %c0_i32_0 = arith.constant 0 : i32
    %c0_i32_1 = arith.constant 0 : i32
    return %c0_i32, %c0_i32_0 : i32, i32
  }
  func.func @transform_3(%arg0: i32) -> (i32, i32) {
    %c0_i32 = arith.constant 0 : i32
    %c0_i32_0 = arith.constant 0 : i32
    %c0_i32_1 = arith.constant 0 : i32
    return %c0_i32, %c0_i32_0 : i32, i32
  }
  func.func @transform_4(%arg0: i32) -> (i32, i32) {
    %c0_i32 = arith.constant 0 : i32
    %c0_i32_0 = arith.constant 0 : i32
    %c0_i32_1 = arith.constant 0 : i32
    return %c0_i32, %c0_i32_0 : i32, i32
  }
  func.func @transform_5(%arg0: i32) -> (i32, i32, i32) {
    %c0_i32 = arith.constant 0 : i32
    %c0_i32_0 = arith.constant 0 : i32
    %c0_i32_1 = arith.constant 0 : i32
    return %c0_i32, %arg0, %c0_i32_0 : i32, i32, i32
  }
}

module attributes {stable_mosaic.version = 14 : i64} {
  func.func @_mlp2_body(%arg0: i32, %arg1: memref<5000x128xf32, #tpu.memory_space<vmem>>, %arg2: memref<2x5000x64xf32, #tpu.memory_space<vmem>>, %arg3: memref<2x5000x8xf32, #tpu.memory_space<vmem>>, %arg4: memref<5000x1xi32, #tpu.memory_space<vmem>>, %arg5: memref<64x64xf32, #tpu.memory_space<vmem>>, %arg6: memref<320x128xf32, #tpu.memory_space<vmem>>, %arg7: memref<1x128xf32, #tpu.memory_space<vmem>>, %arg8: memref<128x128xf32, #tpu.memory_space<vmem>>, %arg9: memref<1x128xf32, #tpu.memory_space<vmem>>, %arg10: memref<5000x128xf32, #tpu.memory_space<vmem>>) attributes {dimension_semantics = [#tpu.dimension_semantics<arbitrary>], iteration_bounds = array<i64: 2>, scalar_prefetch = 0 : i64, scratch_operands = 0 : i64, tpu.core_type = #tpu.core_type<tc>, window_params = [{transform_indices = @transform_0, window_bounds = array<i64: 5000, 128>}, {transform_indices = @transform_1, window_bounds = array<i64: 2, 5000, 64>}, {transform_indices = @transform_2, window_bounds = array<i64: 2, 5000, 8>}, {transform_indices = @transform_3, window_bounds = array<i64: 5000, 1>}, {pipeline_mode = #tpu.pipeline_mode<synchronous>, transform_indices = @transform_4, window_bounds = array<i64: 64, 64>}, {pipeline_mode = #tpu.pipeline_mode<synchronous>, transform_indices = @transform_5, window_bounds = array<i64: 320, 128>}, {pipeline_mode = #tpu.pipeline_mode<synchronous>, transform_indices = @transform_6, window_bounds = array<i64: 1, 128>}, {pipeline_mode = #tpu.pipeline_mode<synchronous>, transform_indices = @transform_7, window_bounds = array<i64: 128, 128>}, {pipeline_mode = #tpu.pipeline_mode<synchronous>, transform_indices = @transform_8, window_bounds = array<i64: 1, 128>}, {transform_indices = @transform_9, window_bounds = array<i64: 5000, 128>}]} {
    %get3A = arith.constant 0 : index
    %get3A_0 = arith.constant 0 : index
    %get3A_1 = arith.constant 0 : index
    %get3A_2 = vector.load %arg2[%get3A, %get3A_0, %get3A_1] : memref<2x5000x64xf32, #tpu.memory_space<vmem>>, vector<2x5000x64xf32>
    %slice3A = vector.extract_strided_slice %get3A_2 {offsets = [0, 0, 0], sizes = [1, 5000, 64], strides = [1, 1, 1]} : vector<2x5000x64xf32> to vector<1x5000x64xf32>
    %squeeze3A = vector.shape_cast %slice3A : vector<1x5000x64xf32> to vector<5000x64xf32>
    %slice3A_3 = vector.extract_strided_slice %get3A_2 {offsets = [1, 0, 0], sizes = [1, 5000, 64], strides = [1, 1, 1]} : vector<2x5000x64xf32> to vector<1x5000x64xf32>
    %squeeze3A_4 = vector.shape_cast %slice3A_3 : vector<1x5000x64xf32> to vector<5000x64xf32>
    %concatenate3A = tpu.concatenate %squeeze3A, %squeeze3A_4 in 1 : vector<5000x64xf32>, vector<5000x64xf32> -> vector<5000x128xf32>
    %get3A_5 = arith.constant 0 : index
    %get3A_6 = arith.constant 0 : index
    %get3A_7 = arith.constant 0 : index
    %get3A_8 = vector.load %arg3[%get3A_5, %get3A_6, %get3A_7] : memref<2x5000x8xf32, #tpu.memory_space<vmem>>, vector<2x5000x8xf32>
    %slice3A_9 = vector.extract_strided_slice %get3A_8 {offsets = [0, 0, 0], sizes = [1, 5000, 1], strides = [1, 1, 1]} : vector<2x5000x8xf32> to vector<1x5000x1xf32>
    %squeeze3A_10 = vector.shape_cast %slice3A_9 : vector<1x5000x1xf32> to vector<5000xf32>
    %slice3A_11 = vector.extract_strided_slice %get3A_8 {offsets = [1, 0, 0], sizes = [1, 5000, 1], strides = [1, 1, 1]} : vector<2x5000x8xf32> to vector<1x5000x1xf32>
    %squeeze3A_12 = vector.shape_cast %slice3A_11 : vector<1x5000x1xf32> to vector<5000xf32>
    %add3A = arith.addf %squeeze3A_10, %squeeze3A_12 : vector<5000xf32>
    %max3A = arith.constant 1.000000e+00 : f32
    %max3A_13 = vector.broadcast %max3A : f32 to vector<5000xf32>
    %max3A_14 = arith.maximumf %add3A, %max3A_13 : vector<5000xf32>
    %broadcast_in_dim3A = vector.shape_cast %max3A_14 : vector<5000xf32> to vector<5000x1xf32>
    %div3A = vector.broadcast %broadcast_in_dim3A : vector<5000x1xf32> to vector<5000x128xf32>
    %div3A_15 = arith.divf %concatenate3A, %div3A : vector<5000x128xf32>
    %get3A_16 = arith.constant 0 : index
    %get3A_17 = arith.constant 0 : index
    %get3A_18 = vector.load %arg4[%get3A_16, %get3A_17] : memref<5000x1xi32, #tpu.memory_space<vmem>>, vector<5000x1xi32>
    %iota3A = tpu.iota {dimensions = array<i32: 1>} : vector<1x64xi32>
    %eq3A = vector.broadcast %get3A_18 : vector<5000x1xi32> to vector<5000x64xi32>
    %eq3A_19 = vector.broadcast %iota3A : vector<1x64xi32> to vector<5000x64xi32>
    %eq3A_20 = arith.cmpi eq, %eq3A, %eq3A_19 : vector<5000x64xi32>
    %convert_element_type3A = arith.extui %eq3A_20 : vector<5000x64xi1> to vector<5000x64xi32>
    %convert_element_type3A_21 = arith.sitofp %convert_element_type3A : vector<5000x64xi32> to vector<5000x64xf32>
    %get3A_22 = arith.constant 0 : index
    %get3A_23 = arith.constant 0 : index
    %get3A_24 = vector.load %arg5[%get3A_22, %get3A_23] : memref<64x64xf32, #tpu.memory_space<vmem>>, vector<64x64xf32>
    %get3A_25 = arith.constant 256 : index
    %get3A_26 = arith.constant 0 : index
    %get3A_27 = vector.load %arg6[%get3A_25, %get3A_26] : memref<320x128xf32, #tpu.memory_space<vmem>>, vector<64x128xf32>
    %dot_general3A = arith.constant dense<0.000000e+00> : vector<64x128xf32>
    %dot_general3A_28 = tpu.matmul %get3A_24, %get3A_27, %dot_general3A {dimension_numbers = #tpu.dot_dimension_numbers<[1], [0], [0], [1], [0, 0, 1, 1], [], []>, transpose_lhs_hint = false} : vector<64x64xf32>, vector<64x128xf32>, vector<64x128xf32> -> vector<64x128xf32>
    %get3A_29 = arith.constant 0 : index
    %get3A_30 = arith.constant 0 : index
    %get3A_31 = vector.load %arg1[%get3A_29, %get3A_30] : memref<5000x128xf32, #tpu.memory_space<vmem>>, vector<5000x128xf32>
    %get3A_32 = arith.constant 0 : index
    %get3A_33 = arith.constant 0 : index
    %get3A_34 = vector.load %arg6[%get3A_32, %get3A_33] : memref<320x128xf32, #tpu.memory_space<vmem>>, vector<128x128xf32>
    %dot_general3A_35 = arith.constant dense<0.000000e+00> : vector<5000x128xf32>
    %dot_general3A_36 = tpu.matmul %get3A_31, %get3A_34, %dot_general3A_35 {dimension_numbers = #tpu.dot_dimension_numbers<[1], [0], [0], [1], [0, 0, 1, 1], [], []>, transpose_lhs_hint = false} : vector<5000x128xf32>, vector<128x128xf32>, vector<5000x128xf32> -> vector<5000x128xf32>
    %get3A_37 = arith.constant 128 : index
    %get3A_38 = arith.constant 0 : index
    %get3A_39 = vector.load %arg6[%get3A_37, %get3A_38] : memref<320x128xf32, #tpu.memory_space<vmem>>, vector<128x128xf32>
    %dot_general3A_40 = arith.constant dense<0.000000e+00> : vector<5000x128xf32>
    %dot_general3A_41 = tpu.matmul %div3A_15, %get3A_39, %dot_general3A_40 {dimension_numbers = #tpu.dot_dimension_numbers<[1], [0], [0], [1], [0, 0, 1, 1], [], []>, transpose_lhs_hint = false} : vector<5000x128xf32>, vector<128x128xf32>, vector<5000x128xf32> -> vector<5000x128xf32>
    %add3A_42 = arith.addf %dot_general3A_36, %dot_general3A_41 : vector<5000x128xf32>
    %dot_general3A_43 = arith.constant dense<0.000000e+00> : vector<5000x128xf32>
    %dot_general3A_44 = tpu.matmul %convert_element_type3A_21, %dot_general3A_28, %dot_general3A_43 {dimension_numbers = #tpu.dot_dimension_numbers<[1], [0], [0], [1], [0, 0, 1, 1], [], []>, transpose_lhs_hint = false} : vector<5000x64xf32>, vector<64x128xf32>, vector<5000x128xf32> -> vector<5000x128xf32>
    %add3A_45 = arith.addf %add3A_42, %dot_general3A_44 : vector<5000x128xf32>
    %get3A_46 = arith.constant 0 : index
    %get3A_47 = arith.constant 0 : index
    %get3A_48 = vector.load %arg7[%get3A_46, %get3A_47] : memref<1x128xf32, #tpu.memory_space<vmem>>, vector<1x128xf32>
    %add3A_49 = vector.broadcast %get3A_48 : vector<1x128xf32> to vector<5000x128xf32>
    %add3A_50 = arith.addf %add3A_45, %add3A_49 : vector<5000x128xf32>
    %max3A_51 = arith.constant 0.000000e+00 : f32
    %max3A_52 = vector.broadcast %max3A_51 : f32 to vector<5000x128xf32>
    %max3A_53 = arith.maximumf %add3A_50, %max3A_52 : vector<5000x128xf32>
    %get3A_54 = arith.constant 0 : index
    %get3A_55 = arith.constant 0 : index
    %get3A_56 = vector.load %arg8[%get3A_54, %get3A_55] : memref<128x128xf32, #tpu.memory_space<vmem>>, vector<128x128xf32>
    %dot_general3A_57 = arith.constant dense<0.000000e+00> : vector<5000x128xf32>
    %dot_general3A_58 = tpu.matmul %max3A_53, %get3A_56, %dot_general3A_57 {dimension_numbers = #tpu.dot_dimension_numbers<[1], [0], [0], [1], [0, 0, 1, 1], [], []>, transpose_lhs_hint = false} : vector<5000x128xf32>, vector<128x128xf32>, vector<5000x128xf32> -> vector<5000x128xf32>
    %get3A_59 = arith.constant 0 : index
    %get3A_60 = arith.constant 0 : index
    %get3A_61 = vector.load %arg9[%get3A_59, %get3A_60] : memref<1x128xf32, #tpu.memory_space<vmem>>, vector<1x128xf32>
    %add3A_62 = vector.broadcast %get3A_61 : vector<1x128xf32> to vector<5000x128xf32>
    %add3A_63 = arith.addf %dot_general3A_58, %add3A_62 : vector<5000x128xf32>
    %swap3A = arith.constant 0 : index
    %swap3A_64 = arith.constant 0 : index
    %swap3A_65 = vector.load %arg10[%swap3A, %swap3A_64] : memref<5000x128xf32, #tpu.memory_space<vmem>>, vector<5000x128xf32>
    tpu.vector_store %arg10[%swap3A, %swap3A_64], %add3A_63 {strides = array<i32>} : memref<5000x128xf32, #tpu.memory_space<vmem>>, vector<5000x128xf32>,
    return
  }
  func.func @transform_0(%arg0: i32) -> (i32, i32) {
    %c0_i32 = arith.constant 0 : i32
    %c0_i32_0 = arith.constant 0 : i32
    return %arg0, %c0_i32 : i32, i32
  }
  func.func @transform_1(%arg0: i32) -> (i32, i32, i32) {
    %c0_i32 = arith.constant 0 : i32
    %c0_i32_0 = arith.constant 0 : i32
    %c0_i32_1 = arith.constant 0 : i32
    return %c0_i32, %arg0, %c0_i32_0 : i32, i32, i32
  }
  func.func @transform_2(%arg0: i32) -> (i32, i32, i32) {
    %c0_i32 = arith.constant 0 : i32
    %c0_i32_0 = arith.constant 0 : i32
    %c0_i32_1 = arith.constant 0 : i32
    return %c0_i32, %arg0, %c0_i32_0 : i32, i32, i32
  }
  func.func @transform_3(%arg0: i32) -> (i32, i32) {
    %c0_i32 = arith.constant 0 : i32
    %c0_i32_0 = arith.constant 0 : i32
    return %arg0, %c0_i32 : i32, i32
  }
  func.func @transform_4(%arg0: i32) -> (i32, i32) {
    %c0_i32 = arith.constant 0 : i32
    %c0_i32_0 = arith.constant 0 : i32
    %c0_i32_1 = arith.constant 0 : i32
    return %c0_i32, %c0_i32_0 : i32, i32
  }
  func.func @transform_5(%arg0: i32) -> (i32, i32) {
    %c0_i32 = arith.constant 0 : i32
    %c0_i32_0 = arith.constant 0 : i32
    %c0_i32_1 = arith.constant 0 : i32
    return %c0_i32, %c0_i32_0 : i32, i32
  }
  func.func @transform_6(%arg0: i32) -> (i32, i32) {
    %c0_i32 = arith.constant 0 : i32
    %c0_i32_0 = arith.constant 0 : i32
    %c0_i32_1 = arith.constant 0 : i32
    return %c0_i32, %c0_i32_0 : i32, i32
  }
  func.func @transform_7(%arg0: i32) -> (i32, i32) {
    %c0_i32 = arith.constant 0 : i32
    %c0_i32_0 = arith.constant 0 : i32
    %c0_i32_1 = arith.constant 0 : i32
    return %c0_i32, %c0_i32_0 : i32, i32
  }
  func.func @transform_8(%arg0: i32) -> (i32, i32) {
    %c0_i32 = arith.constant 0 : i32
    %c0_i32_0 = arith.constant 0 : i32
    %c0_i32_1 = arith.constant 0 : i32
    return %c0_i32, %c0_i32_0 : i32, i32
  }
  func.func @transform_9(%arg0: i32) -> (i32, i32) {
    %c0_i32 = arith.constant 0 : i32
    %c0_i32_0 = arith.constant 0 : i32
    return %arg0, %c0_i32 : i32, i32
  }
}

</mosaic_0001>

<sc_bundles>
// kernel: kernel.5.cloned.1.call-start
scs
__scs_entry_jumppad:
0x0: {  	(pc) =	sbr.rel $0x88, $3  }
0x1: {  	(tag) =	ssettag $0x0;
	lr =	simm.s32 $0x1  }
0x2: {  	[smem:$0x3F95] =	sst lr;
	_ =	strace $0xD0000000  }
0x3: {  	_ = 	snop  }
0x4: {  	_ = 	snop  }
0x5: {  	_ = 	snop  }
0x6: {  	_ = 	snop  }
0x7: {  	_ = 	snop  }
__scs_overlays_trampoline_lowered:
0x8: {  	[smem:$0x3FA4] =	sst s0  }
0x9: {  	[smem:$0x3FA5] =	sst s1  }
0xa: {  	[smem:$0x3FA6] =	sst s2  }
0xb: {  	[smem:$0x3FA7] =	sst s3  }
0xc: {  	[smem:$0x3FA8] =	sst s4  }
0xd: {  	[smem:$0x3FA9] =	sst s5  }
0xe: {  	[smem:$0x3FAA] =	sst s6  }
0xf: {  	[smem:$0x3FAB] =	sst s7  }
0x10: {  	[smem:$0x3FAC] =	sst s8  }
0x11: {  	[smem:$0x3FAD] =	sst s9;
	s0 =	simm.s32 @!p0 $0x0  }
0x12: {  	s1 =	sld [smem:$0x3F93];
	s0 =	simm.s32 @p0 $0x1  }
0x13: {  	[smem:$0x3FAE] =	sst s0;
	s0 =	simm.s32 @!p1 $0x0  }
0x14: {  	s2 =	sld [smem:$0x3F92];
	s0 =	simm.s32 @p1 $0x1  }
0x15: {  	[smem:$0x3FAF] =	sst s0;
	s0 =	simm.s32 @!p2 $0x0  }
0x16: {  	s3 =	sld [smem:$0x3FDB];
	s0 =	simm.s32 @p2 $0x1  }
0x17: {  	s4 =	simm.s32 $0x1BF5;
	[smem:$0x3FB1] =	sst s0  }
0x18: {  	s0 =	sld [smem:$0x3F94];
	_ =	swait.ge [sflag:s4], $0x0  }
0x19: {  	s7 =	sld [smem:$0x3F95]  }
0x1a: {  	s8 =	sadd.s32 $0xFFFFE003, lr  }
0x1b: {  	s9 =	sadd.s32 $0xFFFFFEF7, lr;
	s5 =	simm.s32 $0xFFFFFFFF;
	p2 =	slt.u32 s8, $0xFFFFF086  }
0x1c: {  	p1 =	slt.u32 s9, $0xF7A;
	s5 =	simm.s32 @!p2 $0x0  }
0x1d: {  	s5 =	simm.s32 @p1 $0x1;
	p0 =	seq.s32 s7, s2  }
0x1e: {  	s7 =	smul.u32 @!p0 $0xF7A, s2;
	p2 =	seq.s32 @!p0 s5, $0x0  }
0x1f: {  	s9 =	smul.u32 $0xF7A, s1;
	s8 =	simm.s32 @!p0 $0x1BF5;
	p2 =	por !p2, p0  }
0x20: {  	[sflag:s8] =	ssyncset.s32 @!p0 $0xFFFFF086;
	s6 =	sadd.s32 @!p0 s3, s7;
	s7 =	simm.s32 @!p0 $0x108  }
0x21: {  	s3 =	sadd.s32 s3, s9;
	s6 =	sadd.s32 @!p0 $0x88, s6;
	s7 =	simm.s32 @p2 $0x1082  }
0x22: {  	[simem:s7], [sflag:s8] =	dma.local @!p0 [hbm:s6], $0xF7A  }
0x23: {  	s9 =	sor.u32 $0xD0000000, s2;
	s6 =	simm.s32 $0x108;
	_ =	swait.ge @!p0 [sflag:s8], $0x0  }
0x24: {  	s3 =	sadd.s32 $0x88, s3;
	s6 =	simm.s32 @!p1 $0x1082;
	[sflag:s4] =	ssyncset.s32 $0xFFFFF086  }
0x25: {  	[simem:s6], [sflag:s4] =	dma.local [hbm:s3], $0xF7A  }
0x26: {  	[smem:$0x3F95] =	sst s1;
	(tag) =	ssettag s2;
	_ =	strace s9  }
0x27: {  	s1 =	sld [smem:$0x3FA5]  }
0x28: {  	s2 =	sld [smem:$0x3FA6]  }
0x29: {  	s4 =	sld [smem:$0x3FA8]  }
0x2a: {  	p0 =	seq.s32 s5, $0x0;
	s5 =	sld [smem:$0x3FA9]  }
0x2b: {  	s6 =	sld [smem:$0x3FAA]  }
0x2c: {  	s7 =	sld [smem:$0x3FAB]  }
0x2d: {  	s3 =	simm.s32 $0x108;
	s8 =	sld [smem:$0x3FAC]  }
0x2e: {  	s3 =	simm.s32 @!p0 $0x1082;
	s9 =	sld [smem:$0x3FAD]  }
0x2f: {  	lr =	sadd.s32 s0, s3;
	s0 =	sld [smem:$0x3FA4]  }
0x30: {  	s3 =	sld [smem:$0x3FA7]  }
0x31: {  	[smem:$0x3FB0] =	sst s10  }
0x32: {  	s10 =	sld [smem:$0x3FAE];
	_ =	sdelay $0x3  }
0x33: {  	p0 =	seq.s32 s10, $0x1;
	s10 =	sld [smem:$0x3FB0];
	_ =	sdelay $0x3  }
0x34: {  	[smem:$0x3FB0] =	sst s10  }
0x35: {  	s10 =	sld [smem:$0x3FAF];
	_ =	sdelay $0x3  }
0x36: {  	p1 =	seq.s32 s10, $0x1;
	s10 =	sld [smem:$0x3FB0];
	_ =	sdelay $0x3  }
0x37: {  	[smem:$0x3FB0] =	sst s10  }
0x38: {  	s10 =	sld [smem:$0x3FB1]  }
0x39: {  	_ = 	snop;
	(pc) =	sbr.ind lr, $3  }
0x3a: {  	_ = 	snop  }
0x3b: {  	_ = 	snop  }
0x3c: {  	p2 =	seq.s32 s10, $0x1;
	s10 =	sld [smem:$0x3FB0]  }
0x3d: {  	_ =	shalt  }
0x3e: {  	_ =	shalt  }
0x3f: {  	_ =	shalt  }
0x40: {  	_ =	shalt  }
0x41: {  	_ =	shalt  }
0x42: {  	_ =	shalt  }
0x43: {  	_ =	shalt  }
0x44: {  	_ =	shalt  }
0x45: {  	_ =	shalt  }
0x46: {  	_ =	shalt  }
0x47: {  	_ =	shalt  }
0x48: {  	_ =	shalt  }
0x49: {  	_ =	shalt  }
0x4a: {  	_ =	shalt  }
0x4b: {  	_ =	shalt  }
0x4c: {  	_ =	shalt  }
0x4d: {  	_ =	shalt  }
0x4e: {  	_ =	shalt  }
0x4f: {  	_ =	shalt  }
0x50: {  	_ =	shalt  }
0x51: {  	_ =	shalt  }
0x52: {  	_ =	shalt  }
0x53: {  	_ =	shalt  }
0x54: {  	_ =	shalt  }
0x55: {  	_ =	shalt  }
0x56: {  	_ =	shalt  }
0x57: {  	_ =	shalt  }
0x58: {  	_ =	shalt  }
0x59: {  	_ =	shalt  }
0x5a: {  	_ =	shalt  }
0x5b: {  	_ =	shalt  }
0x5c: {  	_ =	shalt  }
0x5d: {  	_ =	shalt  }
0x5e: {  	_ =	shalt  }
0x5f: {  	_ =	shalt  }
0x60: {  	_ =	shalt  }
0x61: {  	_ =	shalt  }
0x62: {  	_ =	shalt  }
0x63: {  	_ =	shalt  }
0x64: {  	_ =	shalt  }
0x65: {  	_ =	shalt  }
0x66: {  	_ =	shalt  }
0x67: {  	_ =	shalt  }
0x68: {  	_ =	shalt  }
0x69: {  	_ =	shalt  }
0x6a: {  	_ =	shalt  }
0x6b: {  	_ =	shalt  }
0x6c: {  	_ =	shalt  }
0x6d: {  	_ =	shalt  }
0x6e: {  	_ =	shalt  }
0x6f: {  	_ =	shalt  }
0x70: {  	_ =	shalt  }
0x71: {  	_ =	shalt  }
0x72: {  	_ =	shalt  }
0x73: {  	_ =	shalt  }
0x74: {  	_ =	shalt  }
0x75: {  	_ =	shalt  }
0x76: {  	_ =	shalt  }
0x77: {  	_ =	shalt  }
0x78: {  	_ =	shalt  }
0x79: {  	_ =	shalt  }
0x7a: {  	_ =	shalt  }
0x7b: {  	_ =	shalt  }
0x7c: {  	_ =	shalt  }
0x7d: {  	_ =	shalt  }
0x7e: {  	_ =	shalt  }
0x7f: {  	_ =	shalt  }
0x80: {  	_ =	shalt  }
0x81: {  	_ =	shalt  }
0x82: {  	_ =	shalt  }
0x83: {  	_ =	shalt  }
0x84: {  	_ =	shalt  }
0x85: {  	_ =	shalt  }
0x86: {  	_ =	shalt  }
0x87: {  	_ =	shalt  }
.Lfunc_end0:
.L_simem_size_0:
called_computation_lowered:
.L_overlay_start_0:
0x88: {  	s2 =	sld [smem:$0x3FD9]  }
0x89: {  	s3 =	sld [smem:$0x3FFE];
	_ =	sdelay $0x1  }
0x8a: {  	s1 =	srdreg.scid  }
0x8b: {  	s0 =	sand.u32 $0x1, s1  }
0x8c: {  	s17 =	sshll.u32 s0, $0xA;
	s2 =	sadd.s32 s3, s2  }
0x8d: {  	s2 =	sadd.s32 s2, s17  }
0x8e: {  	[smem:$0x3FBC] =	sst s2  }
0x8f: {  	_ = 	snop  }
0x90: {  	s2 =	sld [smem:$0x3FD0];
	(tm) =	ssettm $0x1  }
0x91: {  	s18 =	sld [smem:$0x3FFB];
	_ =	sdelay $0x3  }
0x92: {  	_ =	strace s18  }
0x93: {  	s3 =	sld [smem:$0x3FFC];
	_ =	sdelay $0x3  }
0x94: {  	_ =	strace s3  }
0x95: {  	s3 =	sld [smem:$0x3FFD];
	_ =	sdelay $0x3  }
0x96: {  	_ =	strace s3  }
0x97: {  	_ =	strace $0x8FFFFFFF  }
0x98: {  	s19 =	sld [smem:$0x3FDB];
	_ =	sdelay $0x1  }
0x99: {  	s4 =	simm.s32 $_scs_section_size  }
0x9a: {  	s5 =	simm.s32 $_size__tile_overlayer_lowered;
	s6 =	simm.s32 $_tile_overlayer_lowered  }
0x9b: {  	s22 =	simm.s32 $0x1BFF;
	s21 =	sshll.u32 s6, $0x1;
	s3 =	sadd.s32 s4, s19  }
0x9c: {  	s7 =	simm.s32 $0x0;
	s20 =	sshll.u32 s5, $0x1;
	s5 =	sadd.s32 s21, s3  }
0x9d: {  	[timem:s7], [sflag:s22] =	dma.local [hbm:s5], s20  }
0x9e: {  	_ =	swait.ge [sflag:s22], s20  }
0x9f: {  	s4 =	ssub.s32 $0x0, s20;
	[sflag:s22] =	ssyncset.done $0x0  }
0xa0: {  	[sflag:s22] =	ssyncadd.s32 s4;
	_ =	sdelay $0x1  }
0xa1: {  	s23 =	simm.s32 $0x1B8B  }
0xa2: {  	_ =	swait.ge [sflag:s23], $0x1  }
0xa3: {  	[sflag:s23] =	ssyncset.done $0x0  }
0xa4: {  	s25 =	simm.s32 $0x1B8E;
	s24 =	sld [smem:$0x3FFE];
	[sflag:s23] =	ssyncadd.s32 $0xFFFFFFFF  }
0xa5: {  	s26 =	simm.s32 $execute0_lowered;
	[smem:$0x3FD2] =	sst s25  }
0xa6: {  	s5 =	sshll.u32 s26, $0x1;
	_ =	strace $0x80000046;
	[dreg:$0x1] =	wrdreg $0xFFFFFFFF  }
0xa7: {  	s28 =	simm.s32 $_size_execute0_lowered;
	s3 =	sadd.s32 s3, s5;
	[dreg:$0x0] =	wrdreg $0x0  }
0xa8: {  	s5 =	sshll.u32 s28, $0x1;
	[dreg:$0x2] =	wrdreg s3  }
0xa9: {  	[dreg:$0x3] =	wrdreg s5  }
0xaa: {  	[dreg:$0x4] =	wrdreg $0xC0  }
0xab: {  	_ =	task [dreg:s7], $0x5FFFF  }
0xac: {  	[dreg:$0x1] =	wrdreg $0xFFFFFFFF  }
0xad: {  	[dreg:$0x0] =	wrdreg $0x60  }
0xae: {  	[dreg:$0x2] =	wrdreg s2  }
0xaf: {  	[dreg:$0x3] =	wrdreg s24  }
0xb0: {  	[dreg:$0x4] =	wrdreg $0x14AC00  }
0xb1: {  	[dreg:$0x5] =	wrdreg $0x1EAC00  }
0xb2: {  	[dreg:$0x6] =	wrdreg $0x9  }
0xb3: {  	_ =	task.clear_ibuf [dreg:s7], $0x7FFFF;
	_ =	strace $0x90000046  }
0xb4: {  	s29 =	simm.s32 $0x9;
	_ =	strace $0x80000048  }
0xb5: {  	_ =	swait.ge [sflag:s29], $0x1  }
0xb6: {  	[sflag:s29] =	ssyncadd.s32 $0xFFFFFFFF  }
0xb7: {  	_ =	strace $0x90000048  }
0xb8: {  	_ =	sfence  }
0xb9: {  	s30 =	sld [smem:$0x0];
	_ =	sdelay $0x2  }
0xba: {  	s31 =	sshll.u32 s1, $0xD;
	s1 =	sshrl.u32 s1, $0x2  }
0xbb: {  	s3 =	sand.u32 $0x4000, s31;
	s1 =	sadd.s32 s1, s30  }
0xbc: {  	s0 =	sor.u32 s3, s0;
	s1 =	sshll.u32 s1, $0x11  }
0xbd: {  	s0 =	sor.u32 s1, s0  }
0xbe: {  	s0 =	sadd.s32 $0x8F2B, s0  }
0xbf: {  	[sflag:s0] =	ssyncadd.remote.s32 $0x1  }
0xc0: {  	_ =	sfence.sel $0xFFFF  }
0xc1: {  	[dreg:$0x0] =	wrdreg $0xFFFFFFFF;
	(pc) =	sbr.abs _section_cstart, $3  }
0xc2: {  	[dreg:$0x1] =	wrdreg $0xFFFFFFFF  }
0xc3: {  	_ =	task.clear_ibuf [dreg:s7], $0x2FFFF;
	_ =	strace $0x9FFFFFFF  }
0xc4: {  	(tm) =	ssettm $0x7FFFFFFF  }
0xc5: {  	_ =	shalt  }
tec
execute0_lowered:
.L_overlay_start_1:
0x0: {  	(tag) =	ssettag $0x1  }
0x1: {  	s1 =	rddreg [dreg:$0x0]  }
0x2: {  	s0 =	rddreg [dreg:$0x1]  }
0x3: {  	s2 =	rddreg [dreg:$0x2];
	s10 =	stileid.u32  }
0x4: {  	s5 =	srdreg.scid;
	s4 =	rddreg [dreg:$0x3]  }
0x5: {  	s8 =	simm.s32 $0x0;
	s28 =	simm.s32 $0xB040;
	s3 =	smul.u32 $0x9C4, s10  }
0x6: {  	s30 =	simm.s32 $0xC440;
	s29 =	simm.s32 $0xEC40;
	s6 =	smul.u32 $0x1400, s10  }
0x7: {  	s31 =	simm.s32 $0x10040;
	s5 =	sand.u32 $0x1, s5;
	s10 =	smul.u32 $0xA000, s10  }
0x8: {  	[smem:$0x7FF] =	sst s8;
	s8 =	sadd.s32 $0x15400, s0;
	s7 =	smul.u32 $0x14000, s5  }
0x9: {  	_ =	strace $0x80000047;
	s9 =	ssub.s32 $0x2, s5;
	s15 =	smul.u32 $0xA0000, s5  }
0xa: {  	p0 =	seq.s32 s5, $0x0;
	s3 =	sadd.s32 s3, s0;
	s22 =	sshrl.u32 s9, $0x1  }
0xb: {  	s24 =	sadd.s32 $0x2000, s10;
	s11 =	sadd.s32 $0x4000, s10;
	s26 =	sadd.s32 $0x6000, s10  }
0xc: {  	s13 =	sadd.s32 $0x8000, s10;
	s7 =	sadd.s32 s6, s7;
	s23 =	sadd.s32 $0xB600, s3  }
0xd: {  	s3 =	sadd.s32 $0x1800, s3;
	s12 =	sadd.s32 s24, s2;
	[dreg:$0x5] =	wrdreg s23  }
0xe: {  	s25 =	sadd.s32 s11, s2;
	s14 =	sadd.s32 s26, s2;
	[dreg:$0x6] =	wrdreg s3  }
0xf: {  	s16 =	sadd.s32 s13, s2;
	s6 =	sadd.s32 s6, s4;
	[dreg:$0x8] =	wrdreg s12  }
0x10: {  	s17 =	sadd.s32 s10, s15;
	s18 =	sadd.s32 s15, s11;
	[dreg:$0x9] =	wrdreg s25  }
0x11: {  	s19 =	sadd.s32 s15, s26;
	s20 =	sadd.s32 s15, s13;
	[dreg:$0xa] =	wrdreg s14  }
0x12: {  	s13 =	simm.s32 $0xE;
	s11 =	simm.s32 $0x0;
	[dreg:$0xb] =	wrdreg s16  }
0x13: {  	s7 =	sshrl.u32 s7, $0x3;
	s23 =	sadd.s32 s10, s2;
	[dreg:$0xc] =	wrdreg s6  }
0x14: {  	s14 =	smul.u32 $0x7D, s5;
	s3 =	sadd.s32 s15, s24;
	s6 =	sshrl.u32 s17, $0x3  }
0x15: {  	s21 =	sshrl.u32 s18, $0x3;
	s24 =	sshrl.u32 s20, $0x3;
	s16 =	simm.s32 $0x4  }
0x16: {  	s17 =	simm.s32 $0x5;
	s18 =	simm.s32 $0x6;
	s20 =	simm.s32 $0x8  }
0x17: {  	s0 =	sadd.s32 s7, s0;
	s7 =	ssub.s32 s9, s22;
	s9 =	smul.u32 $0x2710, s5  }
0x18: {  	s3 =	sshrl.u32 s3, $0x3;
	s6 =	sadd.s32 s8, s6;
	s22 =	sshrl.u32 s19, $0x3  }
0x19: {  	s25 =	sadd.s32 s8, s24;
	s19 =	simm.s32 $0x7;
	[dreg:$0x7] =	wrdreg s23  }
0x1a: {  	s5 =	simm.s32 $0xB;
	s15 =	sadd.s32 $0x7D, s14;
	[dreg:$0xd] =	wrdreg s6  }
0x1b: {  	s3 =	sadd.s32 s8, s3;
	[dreg:$0x11] =	wrdreg s25;
	s0 =	sadd.s32 $0x3D400, s0  }
0x1c: {  	s26 =	smax.u32 s7, $0x1;
	s25 =	simm.s32 $0x50;
	[dreg:$0xe] =	wrdreg s3  }
0x1d: {  	s6 =	simm.s32 $0x2;
	s7 =	simm.s32 $0x3;
	[dreg:$0x12] =	wrdreg s0  }
0x1e: {  	s3 =	sadd.s32 s8, s21;
	[dreg:$0x13] =	wrdreg s26;
	s26 =	simm.s32 $0x9C40  }
0x1f: {  	s0 =	simm.s32 $0x1;
	s21 =	simm.s32 $0x9;
	v0 =	vmov s9;
	s9 =	simm.s32 $0xD  }
0x20: {  	[dreg:$0xf] =	wrdreg s3;
	s3 =	sadd.s32 s8, s22;
	s22 =	simm.s32 $0xA  }
0x21: {  	v1 =	vimm.f32 $0.0e+00;
	v2 =	vimm.f32 $1.000000000e+00;
	s8 =	simm.s32 $0xC;
	[dreg:$0x10] =	wrdreg s3;
	s3 =	simm.s32 $0xD840  }
.LBB2_1:
0x22: {  	[dreg:$0x14] =	wrdreg s11  }
0x23: {  	s10 =	simm.s32 $0x0;
	s12 =	rddreg [dreg:$0x5]  }
0x24: {  	[tilespmem:s10], [sflag:$0xE] =	stream.linear.gather [hbm4b:s12+s10], $0x4E20, $0x38;
	[tilespmem:$0x1FEC0] =	vst v63  }
0x25: {  	_ =	swait.ge [sflag:s13], $0x4E20  }
0x26: {  	[sflag:s13] =	ssyncset.done $0x0  }
0x27: {  	s12 =	simm.s32 $0x4E20;
	s24 =	rddreg [dreg:$0x6];
	[sflag:s13] =	ssyncadd.s32 $0xFFFFB1E0  }
0x28: {  	[tilespmem:s12], [sflag:$0xE] =	stream.linear.gather [hbm4b:s24+s10], $0x4E20, $0x38;
	[tilespmem:$0x1FEC0] =	vst v63  }
0x29: {  	_ =	swait.ge [sflag:s13], $0x4E20  }
0x2a: {  	[sflag:s13] =	ssyncset.done $0x0  }
0x2b: {  	[sflag:s13] =	ssyncadd.s32 $0xFFFFB1E0  }
0x2c: {  	v3 =	vld [tilespmem:$0x0]  }
0x2d: {  	v4 =	vld [tilespmem:$0x10]  }
0x2e: {  	v5 =	vld [tilespmem:$0x20]  }
0x2f: {  	v6 =	vld [tilespmem:$0x30]  }
0x30: {  	v7 =	vld [tilespmem:$0x40]  }
0x31: {  	v8 =	vld [tilespmem:$0x50];
	v3 =	vadd.s32 v0, v3  }
0x32: {  	[tilespmem:$0x0] =	vst v3;
	v3 =	vadd.s32 v0, v4;
	v4 =	vld [tilespmem:$0x60]  }
0x33: {  	[tilespmem:$0x10] =	vst v3;
	v3 =	vadd.s32 v0, v5;
	v5 =	vld [tilespmem:$0x70]  }
0x34: {  	[tilespmem:$0x20] =	vst v3;
	v3 =	vadd.s32 v0, v6;
	v6 =	vld [tilespmem:$0x80]  }
0x35: {  	[tilespmem:$0x30] =	vst v3;
	v3 =	vadd.s32 v0, v7;
	v7 =	vld [tilespmem:$0x90]  }
0x36: {  	[tilespmem:$0x40] =	vst v3;
	v3 =	vadd.s32 v0, v8;
	v8 =	vld [tilespmem:$0xA0]  }
0x37: {  	[tilespmem:$0x50] =	vst v3;
	v3 =	vadd.s32 v0, v4;
	v4 =	vld [tilespmem:$0xB0]  }
0x38: {  	[tilespmem:$0x60] =	vst v3;
	v3 =	vadd.s32 v0, v5;
	v5 =	vld [tilespmem:$0xC0]  }
0x39: {  	[tilespmem:$0x70] =	vst v3;
	v3 =	vadd.s32 v0, v6;
	v6 =	vld [tilespmem:$0xD0]  }
0x3a: {  	[tilespmem:$0x80] =	vst v3;
	v3 =	vadd.s32 v0, v7;
	v7 =	vld [tilespmem:$0xE0]  }
0x3b: {  	[tilespmem:$0x90] =	vst v3;
	v3 =	vadd.s32 v0, v8;
	v8 =	vld [tilespmem:$0xF0]  }
0x3c: {  	[tilespmem:$0xA0] =	vst v3;
	v3 =	vadd.s32 v0, v4;
	v4 =	vld [tilespmem:$0x100]  }
0x3d: {  	[tilespmem:$0xB0] =	vst v3;
	v3 =	vadd.s32 v0, v5;
	v5 =	vld [tilespmem:$0x110]  }
0x3e: {  	[tilespmem:$0xC0] =	vst v3;
	v3 =	vadd.s32 v0, v6;
	v6 =	vld [tilespmem:$0x120]  }
0x3f: {  	[tilespmem:$0xD0] =	vst v3;
	v3 =	vadd.s32 v0, v7;
	v7 =	vld [tilespmem:$0x130]  }
0x40: {  	[tilespmem:$0xE0] =	vst v3;
	v3 =	vadd.s32 v0, v8;
	v8 =	vld [tilespmem:$0x140]  }
0x41: {  	[tilespmem:$0xF0] =	vst v3;
	v3 =	vadd.s32 v0, v4;
	v4 =	vld [tilespmem:$0x150]  }
0x42: {  	[tilespmem:$0x100] =	vst v3;
	v3 =	vadd.s32 v0, v5;
	v5 =	vld [tilespmem:$0x160]  }
0x43: {  	[tilespmem:$0x110] =	vst v3;
	v3 =	vadd.s32 v0, v6;
	v6 =	vld [tilespmem:$0x170]  }
0x44: {  	[tilespmem:$0x120] =	vst v3;
	v3 =	vadd.s32 v0, v7;
	v7 =	vld [tilespmem:$0x180]  }
0x45: {  	[tilespmem:$0x130] =	vst v3;
	v3 =	vadd.s32 v0, v8;
	v8 =	vld [tilespmem:$0x190]  }
0x46: {  	[tilespmem:$0x140] =	vst v3;
	v3 =	vadd.s32 v0, v4;
	v4 =	vld [tilespmem:$0x1A0]  }
0x47: {  	[tilespmem:$0x150] =	vst v3;
	v3 =	vadd.s32 v0, v5;
	v5 =	vld [tilespmem:$0x1B0]  }
0x48: {  	[tilespmem:$0x160] =	vst v3;
	v3 =	vadd.s32 v0, v6;
	v6 =	vld [tilespmem:$0x1C0]  }
0x49: {  	[tilespmem:$0x170] =	vst v3;
	v3 =	vadd.s32 v0, v7;
	v7 =	vld [tilespmem:$0x1D0]  }
0x4a: {  	[tilespmem:$0x180] =	vst v3;
	v3 =	vadd.s32 v0, v8  }
0x4b: {  	[tilespmem:$0x190] =	vst v3;
	v3 =	vadd.s32 v0, v4  }
0x4c: {  	[tilespmem:$0x1A0] =	vst v3;
	v3 =	vadd.s32 v0, v5  }
0x4d: {  	[tilespmem:$0x1B0] =	vst v3;
	v3 =	vadd.s32 v0, v6  }
0x4e: {  	[tilespmem:$0x1C0] =	vst v3;
	v3 =	vadd.s32 v0, v7  }
0x4f: {  	[tilespmem:$0x1D0] =	vst v3  }
0x50: {  	[tilespmem:s26], [sflag:$0x1] =	stream.indirect.gather [hbm4b:s1+s25], $0x40, s10, s25, $0xb8;
	[tilespmem:$0x1FEC0] =	vst v63  }
0x51: {  	_ = 	snop  }
0x52: {  	[tilespmem:s28], [sflag:$0x2] =	stream.indirect.gather [hbm4b:s1+s25], $0x40, s25, s25, $0xb8;
	[tilespmem:$0x1FEC0] =	vst v63  }
0x53: {  	s11 =	simm.s32 $0xA0  }
0x54: {  	[tilespmem:s30], [sflag:$0x3] =	stream.indirect.gather [hbm4b:s1+s25], $0x40, s11, s25, $0xb8;
	[tilespmem:$0x1FEC0] =	vst v63  }
0x55: {  	s12 =	simm.s32 $0xF0  }
0x56: {  	[tilespmem:s3], [sflag:$0x4] =	stream.indirect.gather [hbm4b:s1+s25], $0x40, s12, s25, $0xb8;
	[tilespmem:$0x1FEC0] =	vst v63  }
0x57: {  	s13 =	simm.s32 $0x140  }
0x58: {  	[tilespmem:s29], [sflag:$0x5] =	stream.indirect.gather [hbm4b:s1+s25], $0x40, s13, s25, $0xb8;
	[tilespmem:$0x1FEC0] =	vst v63  }
0x59: {  	s24 =	simm.s32 $0x190;
	s12 =	simm.s32 $0x220  }
0x5a: {  	[tilespmem:s31], [sflag:$0x6] =	stream.indirect.gather [hbm4b:s1+s25], $0x40, s24, s25, $0xb8;
	[tilespmem:$0x1FEC0] =	vst v63  }
0x5b: {  	v3 =	vld [tilespmem:s12+$0xFFFFFFC0]  }
0x5c: {  	v4 =	vld [tilespmem:s12+$0xFFFFFFD0]  }
0x5d: {  	v5 =	vld [tilespmem:s12+$0xFFFFFFE0]  }
0x5e: {  	v6 =	vld [tilespmem:s12+$0x0]  }
0x5f: {  	v7 =	vld [tilespmem:s12+$0xFFFFFFF0]  }
0x60: {  	v3 =	vadd.s32 v0, v3  }
0x61: {  	s11 =	simm.s32 $0x270;
	v4 =	vadd.s32 v0, v4;
	[tilespmem:s12+$0xFFFFFFC0] =	vst v3  }
0x62: {  	v5 =	vadd.s32 v0, v5;
	v3 =	vld [tilespmem:s11+$0xFFFFFFC0];
	[tilespmem:s12+$0xFFFFFFD0] =	vst v4  }
0x63: {  	v8 =	vadd.s32 v0, v6;
	v4 =	vld [tilespmem:s11+$0xFFFFFFD0];
	[tilespmem:s12+$0xFFFFFFE0] =	vst v5  }
0x64: {  	s13 =	simm.s32 $0xB00;
	v6 =	vadd.s32 v0, v7;
	v5 =	vld [tilespmem:s11+$0xFFFFFFE0];
	[tilespmem:s12+$0x0] =	vst v8  }
.LBB2_2:
0x65: {  	p1 =	sne.s32 s13, $0x13840;
	v7 =	vld [tilespmem:s11+$0x0];
	[tilespmem:s12+$0xFFFFFFF0] =	vst v6;
	s12 =	smov.u32 s11  }
0x66: {  	v6 =	vld [tilespmem:s12+$0xFFFFFFF0]  }
.Ltmp0:
0x67: {  	v3 =	vadd.s32 v0, v3;
	(pc) =	sbr.rel @p1 .LBB2_2-.Ltmp0, $4  }
0x68: {  	s11 =	sshra.s32 s13, $0x2;
	[tilespmem:s12+$0xFFFFFFC0] =	vst v3;
	v4 =	vadd.s32 v0, v4  }
0x69: {  	v3 =	vld [tilespmem:s11+$0xFFFFFFC0];
	[tilespmem:s12+$0xFFFFFFD0] =	vst v4;
	v5 =	vadd.s32 v0, v5  }
0x6a: {  	v4 =	vld [tilespmem:s11+$0xFFFFFFD0];
	[tilespmem:s12+$0xFFFFFFE0] =	vst v5;
	v7 =	vadd.s32 v0, v7  }
0x6b: {  	s13 =	sadd.s32 $0x140, s13;
	v5 =	vld [tilespmem:s11+$0xFFFFFFE0];
	v6 =	vadd.s32 v0, v6;
	[tilespmem:s12+$0x0] =	vst v7  }
0x6c: {  	v7 =	vld [tilespmem:s11+$0x0];
	[tilespmem:s12+$0xFFFFFFF0] =	vst v6  }
0x6d: {  	v6 =	vld [tilespmem:s11+$0xFFFFFFF0]  }
0x6e: {  	p1 =	por $0x1, $0x1;
	v3 =	vadd.s32 v0, v3  }
.Ltmp1:
0x6f: {  	[tilespmem:s11+$0xFFFFFFC0] =	vst v3;
	v3 =	vadd.s32 v0, v4;
	(pc) =	sbr.rel @!p1 .LBB2_5-.Ltmp1, $4  }
0x70: {  	[tilespmem:s11+$0xFFFFFFD0] =	vst v3;
	v3 =	vadd.s32 v0, v5  }
0x71: {  	[tilespmem:s11+$0xFFFFFFE0] =	vst v3;
	v3 =	vadd.s32 v0, v7  }
0x72: {  	v63 =	vadd.s32 v0, v6;
	[tilespmem:s11+$0x0] =	vst v3  }
0x73: {  	s12 =	simm.s32 $0x0;
	s13 =	simm.s32 $0x100;
	[tilespmem:s11+$0xFFFFFFF0] =	vst v63;
	s11 =	simm.s32 $0x0  }
.LBB2_4:
0x74: {  	p1 =	sne.s32 s13, $0x7F00;
	[tilespmem:s11+$0x116F0] =	vst v1;
	s24 =	smov.u32 s13;
	s13 =	sadd.s32 $0x100, s13  }
.Ltmp2:
0x75: {  	[tilespmem:s11+$0x116E0] =	vst v1;
	(pc) =	sbr.rel @p1 .LBB2_4-.Ltmp2, $3  }
0x76: {  	[tilespmem:s11+$0x116C0] =	vst v1  }
0x77: {  	[tilespmem:s11+$0x116D0] =	vst v1;
	_ =	sdelay $0x1  }
0x78: {  	s11 =	sshra.s32 s24, $0x2  }
.LBB2_5:
0x79: {  	[tilespmem:s11+$0x116F0] =	vst v1  }
0x7a: {  	[tilespmem:s11+$0x116E0] =	vst v1  }
0x7b: {  	[tilespmem:s11+$0x116C0] =	vst v1  }
0x7c: {  	[tilespmem:s11+$0x116D0] =	vst v1  }
.LBB2_6:
0x7d: {  	p1 =	sne.s32 s12, $0x4FE0  }
.Ltmp3:
0x7e: {  	_ = 	snop;
	(pc) =	sbr.rel @p1 .LBB2_6-.Ltmp3, $3  }
0x7f: {  	_ =	sdelay $0x1  }
0x80: {  	s11 =	sshra.s32 s12, $0x2  }
0x81: {  	s12 =	sadd.s32 $0x20, s12;
	[tilespmem:s11+$0x136C0] =	vst.msk $0xff, v1  }
0x82: {  	s11 =	simm.s32 $0x20;
	s12 =	simm.s32 $0x0;
	s13 =	simm.s32 $0xE  }
.LBB2_8:
0x83: {  	p1 =	sne.s32 s11, $0x9E0;
	[tilespmem:s12+$0x11440] =	vst.msk $0xff, v2;
	s12 =	smov.u32 s11;
	s11 =	sadd.s32 $0x20, s11  }
.Ltmp4:
0x84: {  	(pc) =	sbr.rel @p1 .LBB2_8-.Ltmp4, $2  }
0x85: {  	_ =	sdelay $0x2  }
0x86: {  	s12 =	sshra.s32 s12, $0x2  }
0x87: {  	[tilespmem:s12+$0x11440] =	vst.msk $0xff, v2;
	s11 =	simm.s32 $0x116C0  }
0x88: {  	[spmem:s23] =	stream.linear.scatter [tilespmem:s11], [sflag:$0xE], $0x2000, $0x38;
	[tilespmem:$0x1FEC0] =	vst v63  }
0x89: {  	_ =	swait.ge [sflag:s13], $0x2000  }
0x8a: {  	[sflag:s13] =	ssyncset.done $0x0  }
0x8b: {  	s10 =	rddreg [dreg:$0x8];
	[sflag:s13] =	ssyncadd.s32 $0xFFFFE000  }
0x8c: {  	[spmem:s10] =	stream.linear.scatter [tilespmem:s11], [sflag:$0xE], $0x2000, $0x38;
	[tilespmem:$0x1FEC0] =	vst v63  }
0x8d: {  	_ =	swait.ge [sflag:s13], $0x2000  }
0x8e: {  	[sflag:s13] =	ssyncset.done $0x0  }
0x8f: {  	s23 =	rddreg [dreg:$0x9];
	[sflag:s13] =	ssyncadd.s32 $0xFFFFE000  }
0x90: {  	[spmem:s23] =	stream.linear.scatter [tilespmem:s11], [sflag:$0xE], $0x2000, $0x38;
	[tilespmem:$0x1FEC0] =	vst v63  }
0x91: {  	_ =	swait.ge [sflag:s13], $0x2000  }
0x92: {  	[sflag:s13] =	ssyncset.done $0x0  }
0x93: {  	s24 =	rddreg [dreg:$0xa];
	[sflag:s13] =	ssyncadd.s32 $0xFFFFE000  }
0x94: {  	[spmem:s24] =	stream.linear.scatter [tilespmem:s11], [sflag:$0xE], $0x2000, $0x38;
	[tilespmem:$0x1FEC0] =	vst v63  }
0x95: {  	_ =	swait.ge [sflag:s13], $0x2000  }
0x96: {  	[sflag:s13] =	ssyncset.done $0x0  }
0x97: {  	s12 =	rddreg [dreg:$0xb];
	[sflag:s13] =	ssyncadd.s32 $0xFFFFE000  }
0x98: {  	[spmem:s12] =	stream.linear.scatter [tilespmem:s11], [sflag:$0xE], $0x2000, $0x38;
	[tilespmem:$0x1FEC0] =	vst v63  }
0x99: {  	_ =	swait.ge [sflag:s13], $0x2000  }
0x9a: {  	[sflag:s13] =	ssyncset.done $0x0  }
0x9b: {  	s24 =	simm.s32 $0x136C0;
	s23 =	rddreg [dreg:$0xc];
	[sflag:s13] =	ssyncadd.s32 $0xFFFFE000  }
0x9c: {  	[spmem:s23] =	stream.linear.scatter [tilespmem:s24], [sflag:$0xE], $0x1400, $0x38;
	[tilespmem:$0x1FEC0] =	vst v63  }
0x9d: {  	_ =	swait.ge [sflag:s13], $0x1400  }
0x9e: {  	[sflag:s13] =	ssyncset.done $0x0  }
0x9f: {  	[sflag:s13] =	ssyncadd.s32 $0xFFFFEC00  }
0xa0: {  	s11 =	simm.s32 $0x0;
	s12 =	simm.s32 $0x0;
	[bflag:$0x0] =	sbarrier.arrive $0xFFFF  }
.LBB2_10:
0xa1: {  	_ =	swait.ge [sflag:s0], $0x1400;
	p1 =	slt.u32 s11, s14  }
0xa2: {  	s13 =	sshra.s32 s12, $0x2;
	[sflag:s0] =	ssyncset.done $0x0;
	p2 =	sge.u32 @!p1 s11, s15  }
0xa3: {  	s24 =	sadd.s32 $0x4E20, s13;
	[sflag:s0] =	ssyncadd.s32 $0xFFFFEC00;
	p1 =	por p2, p1  }
0xa4: {  	[spmem:s2] =	stream.indirect.scatter.add.f32 [tilespmem:s26], [sflag:$0x7], $0x40, s24, s25, $0xb8;
	[tilespmem:$0x1FEC0] =	vst v63  }
0xa5: {  	s10 =	simm.s32 @!p1 $0x50;
	s23 =	simm.s32 @!p1 $0x11440  }
0xa6: {  	[spmem:s4] =	stream.indirect.scatter.add.f32 @!p1 [tilespmem:s23], [sflag:$0xD], $0x8, s24, s10, $0xb8;
	[tilespmem:$0x1FEC0] =	vst v63  }
0xa7: {  	s10 =	sadd.s32 $0x1, s11  }
0xa8: {  	_ =	swait.ge [sflag:s6], $0x1400;
	p1 =	slt.u32 s10, s14  }
0xa9: {  	[sflag:s6] =	ssyncset.done $0x0;
	p2 =	sge.u32 @!p1 s10, s15  }
0xaa: {  	s23 =	sadd.s32 $0x4E70, s13;
	[sflag:s6] =	ssyncadd.s32 $0xFFFFEC00;
	p1 =	por p2, p1  }
0xab: {  	[spmem:s2] =	stream.indirect.scatter.add.f32 [tilespmem:s28], [sflag:$0x8], $0x40, s23, s25, $0xb8;
	[tilespmem:$0x1FEC0] =	vst v63  }
0xac: {  	s10 =	simm.s32 @!p1 $0x50;
	s24 =	simm.s32 @!p1 $0x11440  }
0xad: {  	[spmem:s4] =	stream.indirect.scatter.add.f32 @!p1 [tilespmem:s24], [sflag:$0xD], $0x8, s23, s10, $0xb8;
	[tilespmem:$0x1FEC0] =	vst v63  }
0xae: {  	s10 =	sadd.s32 $0x2, s11  }
0xaf: {  	_ =	swait.ge [sflag:s7], $0x1400;
	p1 =	slt.u32 s10, s14  }
0xb0: {  	[sflag:s7] =	ssyncset.done $0x0;
	p2 =	sge.u32 @!p1 s10, s15  }
0xb1: {  	s23 =	sadd.s32 $0x4EC0, s13;
	[sflag:s7] =	ssyncadd.s32 $0xFFFFEC00;
	p1 =	por p2, p1  }
0xb2: {  	[spmem:s2] =	stream.indirect.scatter.add.f32 [tilespmem:s30], [sflag:$0x9], $0x40, s23, s25, $0xb8;
	[tilespmem:$0x1FEC0] =	vst v63  }
0xb3: {  	s10 =	simm.s32 @!p1 $0x50;
	s24 =	simm.s32 @!p1 $0x11440  }
0xb4: {  	[spmem:s4] =	stream.indirect.scatter.add.f32 @!p1 [tilespmem:s24], [sflag:$0xD], $0x8, s23, s10, $0xb8;
	[tilespmem:$0x1FEC0] =	vst v63  }
0xb5: {  	s10 =	sadd.s32 $0x3, s11  }
0xb6: {  	_ =	swait.ge [sflag:s16], $0x1400;
	p1 =	slt.u32 s10, s14  }
0xb7: {  	[sflag:s16] =	ssyncset.done $0x0;
	p2 =	sge.u32 @!p1 s10, s15  }
0xb8: {  	s23 =	sadd.s32 $0x4F10, s13;
	[sflag:s16] =	ssyncadd.s32 $0xFFFFEC00;
	p1 =	por p2, p1  }
0xb9: {  	[spmem:s2] =	stream.indirect.scatter.add.f32 [tilespmem:s3], [sflag:$0xA], $0x40, s23, s25, $0xb8;
	[tilespmem:$0x1FEC0] =	vst v63  }
0xba: {  	s10 =	simm.s32 @!p1 $0x50;
	s24 =	simm.s32 @!p1 $0x11440  }
0xbb: {  	[spmem:s4] =	stream.indirect.scatter.add.f32 @!p1 [tilespmem:s24], [sflag:$0xD], $0x8, s23, s10, $0xb8;
	[tilespmem:$0x1FEC0] =	vst v63  }
0xbc: {  	s10 =	sadd.s32 $0x4, s11  }
0xbd: {  	_ =	swait.ge [sflag:s17], $0x1400;
	p1 =	slt.u32 s10, s14  }
0xbe: {  	[sflag:s17] =	ssyncset.done $0x0;
	p2 =	sge.u32 @!p1 s10, s15  }
0xbf: {  	s23 =	sadd.s32 $0x4F60, s13;
	[sflag:s17] =	ssyncadd.s32 $0xFFFFEC00;
	p1 =	por p2, p1  }
0xc0: {  	[spmem:s2] =	stream.indirect.scatter.add.f32 [tilespmem:s29], [sflag:$0xB], $0x40, s23, s25, $0xb8;
	[tilespmem:$0x1FEC0] =	vst v63  }
0xc1: {  	s10 =	simm.s32 @!p1 $0x50;
	s24 =	simm.s32 @!p1 $0x11440  }
0xc2: {  	[spmem:s4] =	stream.indirect.scatter.add.f32 @!p1 [tilespmem:s24], [sflag:$0xD], $0x8, s23, s10, $0xb8;
	[tilespmem:$0x1FEC0] =	vst v63  }
0xc3: {  	s10 =	sadd.s32 $0x5, s11  }
0xc4: {  	_ =	swait.ge [sflag:s18], $0x1400;
	p1 =	slt.u32 s10, s14  }
0xc5: {  	[sflag:s18] =	ssyncset.done $0x0;
	p2 =	sge.u32 @!p1 s10, s15  }
0xc6: {  	s23 =	sadd.s32 $0x4FB0, s13;
	[sflag:s18] =	ssyncadd.s32 $0xFFFFEC00;
	p1 =	por p2, p1  }
0xc7: {  	[spmem:s2] =	stream.indirect.scatter.add.f32 [tilespmem:s31], [sflag:$0xC], $0x40, s23, s25, $0xb8;
	[tilespmem:$0x1FEC0] =	vst v63  }
0xc8: {  	s10 =	simm.s32 @!p1 $0x50;
	s24 =	simm.s32 @!p1 $0x11440  }
0xc9: {  	[spmem:s4] =	stream.indirect.scatter.add.f32 @!p1 [tilespmem:s24], [sflag:$0xD], $0x8, s23, s10, $0xb8;
	[tilespmem:$0x1FEC0] =	vst v63  }
0xca: {  	_ =	swait.ge [sflag:s19], $0x1400  }
0xcb: {  	[sflag:s19] =	ssyncset.done $0x0  }
0xcc: {  	s23 =	sadd.s32 $0x1E0, s13;
	[sflag:s19] =	ssyncadd.s32 $0xFFFFEC00  }
0xcd: {  	[tilespmem:s26], [sflag:$0x1] =	stream.indirect.gather [hbm4b:s1+s25], $0x40, s23, s25, $0xb8;
	[tilespmem:$0x1FEC0] =	vst v63  }
0xce: {  	_ =	swait.ge [sflag:s20], $0x1400  }
0xcf: {  	[sflag:s20] =	ssyncset.done $0x0  }
0xd0: {  	s24 =	sadd.s32 $0x230, s13;
	[sflag:s20] =	ssyncadd.s32 $0xFFFFEC00  }
0xd1: {  	[tilespmem:s28], [sflag:$0x2] =	stream.indirect.gather [hbm4b:s1+s25], $0x40, s24, s25, $0xb8;
	[tilespmem:$0x1FEC0] =	vst v63  }
0xd2: {  	_ =	swait.ge [sflag:s21], $0x1400  }
0xd3: {  	[sflag:s21] =	ssyncset.done $0x0  }
0xd4: {  	p1 =	seq.s32 s12, $0x12C00;
	s23 =	sadd.s32 $0x280, s13;
	[sflag:s21] =	ssyncadd.s32 $0xFFFFEC00  }
0xd5: {  	[tilespmem:s30], [sflag:$0x3] =	stream.indirect.gather [hbm4b:s1+s25], $0x40, s23, s25, $0xb8;
	[tilespmem:$0x1FEC0] =	vst v63  }
.Ltmp5:
0xd6: {  	_ = 	snop;
	(pc) =	sbr.rel @p1 .LBB2_12-.Ltmp5, $4  }
0xd7: {  	_ =	swait.ge [sflag:s22], $0x1400  }
0xd8: {  	[sflag:s22] =	ssyncset.done $0x0  }
0xd9: {  	s24 =	sadd.s32 $0x2D0, s13;
	[sflag:s22] =	ssyncadd.s32 $0xFFFFEC00  }
0xda: {  	[tilespmem:s3], [sflag:$0x4] =	stream.indirect.gather [hbm4b:s1+s25], $0x40, s24, s25, $0xb8;
	[tilespmem:$0x1FEC0] =	vst v63  }
0xdb: {  	_ =	swait.ge [sflag:s5], $0x1400  }
0xdc: {  	[sflag:s5] =	ssyncset.done $0x0  }
0xdd: {  	s10 =	sadd.s32 $0x320, s13;
	[sflag:s5] =	ssyncadd.s32 $0xFFFFEC00  }
0xde: {  	[tilespmem:s29], [sflag:$0x5] =	stream.indirect.gather [hbm4b:s1+s25], $0x40, s10, s25, $0xb8;
	[tilespmem:$0x1FEC0] =	vst v63  }
.Ltmp6:
0xdf: {  	_ = 	snop;
	(pc) =	sbr.rel .LBB2_10-.Ltmp6, $4  }
0xe0: {  	_ =	swait.ge [sflag:s8], $0x1400  }
0xe1: {  	s24 =	sadd.s32 $0x370, s13;
	[sflag:s8] =	ssyncset.done $0x0  }
0xe2: {  	s12 =	sadd.s32 $0x780, s12;
	s11 =	sadd.s32 $0x6, s11;
	[sflag:s8] =	ssyncadd.s32 $0xFFFFEC00  }
0xe3: {  	[tilespmem:s31], [sflag:$0x6] =	stream.indirect.gather [hbm4b:s1+s25], $0x40, s24, s25, $0xb8;
	[tilespmem:$0x1FEC0] =	vst v63  }
.LBB2_12:
0xe4: {  	_ =	swait.ge [sflag:s0], $0x1400  }
0xe5: {  	[sflag:s0] =	ssyncset.done $0x0  }
0xe6: {  	s10 =	simm.s32 $0x9B00;
	[sflag:s0] =	ssyncadd.s32 $0xFFFFEC00  }
0xe7: {  	[spmem:s2] =	stream.indirect.scatter.add.f32 [tilespmem:s26], [sflag:$0x7], $0x40, s10, s25, $0xb8;
	[tilespmem:$0x1FEC0] =	vst v63  }
0xe8: {  	s10 =	simm.s32 @p0 $0x2  }
0xe9: {  	_ =	swait.ge @p0 [sflag:s10], $0x1400  }
0xea: {  	s11 =	simm.s32 @p0 $0x9B50;
	[sflag:s10] =	ssyncset.done @p0 $0x0  }
0xeb: {  	s12 =	simm.s32 @p0 $0xB040;
	[sflag:s10] =	ssyncadd.s32 @p0 $0xFFFFEC00;
	s10 =	simm.s32 @p0 $0x50  }
0xec: {  	[spmem:s2] =	stream.indirect.scatter.add.f32 @p0 [tilespmem:s12], [sflag:$0x8], $0x40, s11, s10, $0xb8;
	[tilespmem:$0x1FEC0] =	vst v63  }
0xed: {  	s13 =	simm.s32 @!p0 $0x11440;
	s11 =	simm.s32 @!p0 $0x50;
	s12 =	simm.s32 @!p0 $0x9B00  }
0xee: {  	[spmem:s4] =	stream.indirect.scatter.add.f32 @!p0 [tilespmem:s13], [sflag:$0xD], $0x8, s12, s11, $0xb8;
	[tilespmem:$0x1FEC0] =	vst v63  }
0xef: {  	s12 =	simm.s32 @!p0 $0x2  }
0xf0: {  	_ =	swait.ge @!p0 [sflag:s12], $0x1400  }
0xf1: {  	[sflag:s12] =	ssyncset.done @!p0 $0x0  }
0xf2: {  	s23 =	simm.s32 @!p0 $0xB040;
	[sflag:s12] =	ssyncadd.s32 @!p0 $0xFFFFEC00;
	s12 =	simm.s32 @!p0 $0x9B50  }
0xf3: {  	[spmem:s2] =	stream.indirect.scatter.add.f32 @!p0 [tilespmem:s23], [sflag:$0x8], $0x40, s12, s11, $0xb8;
	[tilespmem:$0x1FEC0] =	vst v63  }
0xf4: {  	_ = 	snop  }
0xf5: {  	[spmem:s4] =	stream.indirect.scatter.add.f32 @!p0 [tilespmem:s13], [sflag:$0xD], $0x8, s12, s11, $0xb8;
	[tilespmem:$0x1FEC0] =	vst v63  }
0xf6: {  	_ =	swait.ge [sflag:s7], $0x1400  }
0xf7: {  	[sflag:s7] =	ssyncset.done $0x0  }
0xf8: {  	s24 =	simm.s32 $0x9BA0;
	s12 =	simm.s32 @p0 $0x4;
	[sflag:s7] =	ssyncadd.s32 $0xFFFFEC00  }
0xf9: {  	[spmem:s2] =	stream.indirect.scatter.add.f32 [tilespmem:s30], [sflag:$0x9], $0x40, s24, s25, $0xb8;
	[tilespmem:$0x1FEC0] =	vst v63  }
0xfa: {  	_ =	swait.ge @p0 [sflag:s12], $0x1400  }
0xfb: {  	[sflag:s12] =	ssyncset.done @p0 $0x0  }
0xfc: {  	s23 =	simm.s32 @p0 $0xD840;
	[sflag:s12] =	ssyncadd.s32 @p0 $0xFFFFEC00;
	s12 =	simm.s32 @p0 $0x9BF0  }
0xfd: {  	[spmem:s2] =	stream.indirect.scatter.add.f32 @p0 [tilespmem:s23], [sflag:$0xA], $0x40, s12, s10, $0xb8;
	[tilespmem:$0x1FEC0] =	vst v63  }
0xfe: {  	s10 =	simm.s32 @!p0 $0x9BA0  }
0xff: {  	[spmem:s4] =	stream.indirect.scatter.add.f32 @!p0 [tilespmem:s13], [sflag:$0xD], $0x8, s10, s11, $0xb8;
	[tilespmem:$0x1FEC0] =	vst v63  }
0x100: {  	s10 =	simm.s32 @!p0 $0x4  }
0x101: {  	_ =	swait.ge @!p0 [sflag:s10], $0x1400  }
0x102: {  	[sflag:s10] =	ssyncset.done @!p0 $0x0  }
0x103: {  	s12 =	simm.s32 @!p0 $0xD840;
	[sflag:s10] =	ssyncadd.s32 @!p0 $0xFFFFEC00;
	s10 =	simm.s32 @!p0 $0x9BF0  }
0x104: {  	[spmem:s2] =	stream.indirect.scatter.add.f32 @!p0 [tilespmem:s12], [sflag:$0xA], $0x40, s10, s11, $0xb8;
	[tilespmem:$0x1FEC0] =	vst v63  }
0x105: {  	_ = 	snop  }
0x106: {  	[spmem:s4] =	stream.indirect.scatter.add.f32 @!p0 [tilespmem:s13], [sflag:$0xD], $0x8, s10, s11, $0xb8;
	[tilespmem:$0x1FEC0] =	vst v63  }
0x107: {  	_ =	swait.ge [sflag:s19], $0x1400  }
0x108: {  	[sflag:s19] =	ssyncset.done $0x0  }
0x109: {  	[sflag:s19] =	ssyncadd.s32 $0xFFFFEC00  }
0x10a: {  	_ =	swait.ge [sflag:s20], $0x1400  }
0x10b: {  	[sflag:s20] =	ssyncset.done $0x0  }
0x10c: {  	[sflag:s20] =	ssyncadd.s32 $0xFFFFEC00  }
0x10d: {  	_ =	swait.ge [sflag:s21], $0x1400  }
0x10e: {  	[sflag:s21] =	ssyncset.done $0x0  }
0x10f: {  	[sflag:s21] =	ssyncadd.s32 $0xFFFFEC00  }
0x110: {  	_ =	swait.ge [sflag:s22], $0x1400  }
0x111: {  	[sflag:s22] =	ssyncset.done $0x0  }
0x112: {  	[sflag:s22] =	ssyncadd.s32 $0xFFFFEC00  }
0x113: {  	_ =	swait.ge [sflag:s5], $0x1400  }
0x114: {  	[sflag:s5] =	ssyncset.done $0x0  }
0x115: {  	[sflag:s5] =	ssyncadd.s32 $0xFFFFEC00  }
0x116: {  	_ =	swait.ge [sflag:s8], $0x1400  }
0x117: {  	[sflag:s8] =	ssyncset.done $0x0  }
0x118: {  	[sflag:s8] =	ssyncadd.s32 $0xFFFFEC00  }
0x119: {  	_ =	swait.ge [sflag:s9], $0x280  }
0x11a: {  	s11 =	simm.s32 $0x7C;
	[sflag:s9] =	ssyncset.done $0x0  }
.LBB2_13:
0x11b: {  	p1 =	sne.s32 s11, $0x1;
	s11 =	sadd.s32 $0xFFFFFFFF, s11;
	[sflag:s9] =	ssyncadd.s32 $0xFFFFFD80  }
.Ltmp7:
0x11c: {  	(pc) =	sbr.rel @p1 .LBB2_13-.Ltmp7, $3  }
0x11d: {  	_ =	sdelay $0x1  }
0x11e: {  	_ =	swait.ge [sflag:s9], $0x280  }
0x11f: {  	[sflag:s9] =	ssyncset.done $0x0  }
0x120: {  	[sflag:s9] =	ssyncadd.s32 $0xFFFFFD80  }
0x121: {  	s10 =	stileid.u32;
	[bflag:$0x0] =	sbarrier.arrive $0xFFFF  }
0x122: {  	s13 =	simm.s32 $0xE;
	s10 =	sshll.u32 s10, $0x6;
	s23 =	rddreg [dreg:$0x7]  }
0x123: {  	s10 =	sor.u32 $0x1C0E, s10;
	s12 =	rddreg [dreg:$0xd];
	s11 =	sshrl.u32 s23, $0x3  }
0x124: {  	[hbm:s12], [sflag:s10] =	dma.local [spmem:s11], $0x400  }
0x125: {  	_ =	swait.ge [sflag:s13], $0x400  }
0x126: {  	[sflag:s13] =	ssyncset.done $0x0;
	s12 =	rddreg [dreg:$0x8]  }
0x127: {  	s24 =	rddreg [dreg:$0xe];
	[sflag:s13] =	ssyncadd.s32 $0xFFFFFC00;
	s11 =	sshrl.u32 s12, $0x3  }
0x128: {  	[hbm:s24], [sflag:s10] =	dma.local [spmem:s11], $0x400  }
0x129: {  	_ =	swait.ge [sflag:s13], $0x400  }
0x12a: {  	[sflag:s13] =	ssyncset.done $0x0;
	s12 =	rddreg [dreg:$0x9]  }
0x12b: {  	s24 =	rddreg [dreg:$0xf];
	[sflag:s13] =	ssyncadd.s32 $0xFFFFFC00;
	s11 =	sshrl.u32 s12, $0x3  }
0x12c: {  	[hbm:s24], [sflag:s10] =	dma.local [spmem:s11], $0x400  }
0x12d: {  	_ =	swait.ge [sflag:s13], $0x400  }
0x12e: {  	[sflag:s13] =	ssyncset.done $0x0;
	s12 =	rddreg [dreg:$0xa]  }
0x12f: {  	s24 =	rddreg [dreg:$0x10];
	[sflag:s13] =	ssyncadd.s32 $0xFFFFFC00;
	s11 =	sshrl.u32 s12, $0x3  }
0x130: {  	[hbm:s24], [sflag:s10] =	dma.local [spmem:s11], $0x400  }
0x131: {  	_ =	swait.ge [sflag:s13], $0x400  }
0x132: {  	[sflag:s13] =	ssyncset.done $0x0;
	s12 =	rddreg [dreg:$0xb]  }
0x133: {  	s24 =	rddreg [dreg:$0x11];
	[sflag:s13] =	ssyncadd.s32 $0xFFFFFC00;
	s11 =	sshrl.u32 s12, $0x3  }
0x134: {  	[hbm:s24], [sflag:s10] =	dma.local [spmem:s11], $0x400  }
0x135: {  	_ =	swait.ge [sflag:s13], $0x400  }
0x136: {  	[sflag:s13] =	ssyncset.done $0x0;
	s12 =	rddreg [dreg:$0xc]  }
0x137: {  	s24 =	rddreg [dreg:$0x12];
	[sflag:s13] =	ssyncadd.s32 $0xFFFFFC00;
	s11 =	sshrl.u32 s12, $0x3  }
0x138: {  	[hbm:s24], [sflag:s10] =	dma.local [spmem:s11], $0x280  }
0x139: {  	_ =	swait.ge [sflag:s13], $0x280  }
0x13a: {  	s12 =	rddreg [dreg:$0x14]  }
0x13b: {  	s24 =	rddreg [dreg:$0x13];
	s11 =	sadd.s32 $0x1, s12  }
0x13c: {  	p1 =	sne.s32 s11, s24  }
.Ltmp8:
0x13d: {  	_ = 	snop;
	(pc) =	sbr.rel @p1 .LBB2_1-.Ltmp8, $3  }
0x13e: {  	_ =	sdelay $0x1  }
0x13f: {  	[sflag:s13] =	ssyncset.done $0x0  }
0x140: {  	[sflag:s13] =	ssyncadd.s32 $0xFFFFFD80  }
0x141: {  	_ =	sfence.sel $0x180000  }
0x142: {  	[bflag:$0x0] =	sbarrier.arrive $0xFFFF  }
0x143: {  	_ =	strace $0x90000047  }
0x144: {  	s0 =	stileid.u32;
	[bflag:$0x2] =	sbarrier.arrive $0xFFFF  }
0x145: {  	p0 =	sne.s32 s0, $0x0;
	s0 =	rddreg [dreg:$0x4]  }
0x146: {  	s0 =	sadd.s32 @!p0 $0x100000, s0  }
0x147: {  	[sflag:s0] =	ssyncadd.tile.s32 @!p0 $0x1;
	_ =	shalt  }
.Lfunc_end2:
_tile_overlayer_lowered:
.L_overlay_start_2:
0x148: {  	(tag) =	ssettag $0x2  }
0x149: {  	s0 =	rddreg [dreg:$0x0];
	s2 =	stileid.u32  }
0x14a: {  	s1 =	rddreg [dreg:$0x1];
	p0 =	sne.s32 s2, $0x0  }
0x14b: {  	s3 =	rddreg [dreg:$0x2];
	[bflag:$0x3] =	sbarrier.arrive $0xFFFF;
	s2 =	simm.s32 @!p0 $0x1C0E  }
0x14c: {  	[timem:s3], [sflag:s2] =	dma.local @!p0 [hbm:s0], s1  }
0x14d: {  	s0 =	simm.s32 @!p0 $0xE  }
0x14e: {  	_ =	swait.ge @!p0 [sflag:s0], s1  }
0x14f: {  	s1 =	ssub.s32 @!p0 $0x0, s1;
	[sflag:s0] =	ssyncset.done @!p0 $0x0  }
0x150: {  	[sflag:s0] =	ssyncadd.s32 @!p0 s1  }
0x151: {  	[bflag:$0x3] =	sbarrier.arrive $0xFFFF  }
0x152: {  	_ =	shalt  }

</sc_bundles>
